<compile_context>
chip_gen: v7x
topology: tpu7x:2x2x1
jax: 0.10.2.dev20260603
libtpu: 0.0.44.dev20260713+nightly
codegen_flags: <defaults>
</compile_context>

<pallas_src>
import functools

import jax
import jax.numpy as jnp
from jax import lax
from jax.experimental import pallas as pl
from jax.experimental.pallas import tpu as pltpu
from jax.experimental.pallas import tpu_sc as plsc

_H = 256
_W = 256
_R2 = 1.5 * 1.5
_BACKGROUND = 1.0
_BIG = 1e9
_B = 32
_N = 8192
_L = 16
_GROUPS = _N // _L
_IMG = _H * _W
_IMG_PAD = _IMG + _L

_GATHER_DNUMS = lax.GatherDimensionNumbers(
    offset_dims=(), collapsed_slice_dims=(0,), start_index_map=(0,)
)


def _permute(x, idx):
    return lax.gather(
        x,
        idx[:, None],
        dimension_numbers=_GATHER_DNUMS,
        slice_sizes=(1,),
        mode=lax.GatherScatterMode.PROMISE_IN_BOUNDS,
    )


def _render_body(pts_hbm, out_hbm, pts_v, img_v):
    wid = lax.axis_index("s") * 2 + lax.axis_index("c")

    pltpu.sync_copy(pts_hbm.at[wid], pts_v)

    bg = jnp.full((_L,), _BACKGROUND, jnp.float32)

    def init_body(i, c):
        img_v[pl.ds(i * _L, _L)] = bg
        return c

    lax.fori_loop(0, _IMG_PAD // _L, init_body, 0)

    iota = lax.iota(jnp.int32, _L)
    stride3 = iota * 3
    nxt_down = jnp.maximum(iota - 1, 0)
    first_lane = iota == 0
    sentinel = iota + _IMG

    def body(g, c):
        base = g * (3 * _L)
        x = plsc.load_gather(pts_v, [stride3 + base])
        y = plsc.load_gather(pts_v, [stride3 + base + 1])
        z = plsc.load_gather(pts_v, [stride3 + base + 2])

        z, perm = plsc.sort_key_val(z, iota)
        x = _permute(x, perm)
        y = _permute(y, perm)

        xf = x * float(_W - 1)
        yf = y * float(_H - 1)
        ix = xf.astype(jnp.int32)
        iy = yf.astype(jnp.int32)
        fx = xf - ix.astype(jnp.float32)
        fy = yf - iy.astype(jnp.float32)
        bidx = iy * _W + ix

        xm = 1.0 + fx
        xp = 1.0 - fx
        ym = 1.0 + fy
        yp = 1.0 - fy
        ax = {-1: xm * xm, 0: fx * fx, 1: xp * xp}
        ay = {-1: ym * ym, 0: fy * fy, 1: yp * yp}
        okx = {-1: ix >= 1, 0: None, 1: ix <= _W - 2}
        oky = {-1: iy >= 1, 0: None, 1: iy <= _H - 2}

        for dy in (-1, 0, 1):
            for dx in (-1, 0, 1):
                d2 = ax[dx] + ay[dy]
                m = d2 <= _R2
                if okx[dx] is not None:
                    m = m & okx[dx]
                if oky[dy] is not None:
                    m = m & oky[dy]
                idx = bidx + (dy * _W + dx)
                idx_eff = jnp.where(m, idx, sentinel)
                z_eff = jnp.where(m, z, _BIG)
                key = idx_eff * _L + iota
                skey, sz = plsc.sort_key_val(key, z_eff)
                sidx = lax.shift_right_logical(skey, 4)
                prev = _permute(sidx, nxt_down)
                first = (prev != sidx) | first_lane
                cur = plsc.load_gather(img_v, [sidx])
                want = jnp.minimum(cur, sz)
                plsc.store_scatter(img_v, [sidx], want, mask=first)
        return c

    lax.fori_loop(0, _GROUPS, body, 0)

    pltpu.sync_copy(img_v.at[pl.ds(0, _IMG)], out_hbm.at[wid])


@jax.jit
def _render(pts):
    mesh = plsc.VectorSubcoreMesh(core_axis_name="c", subcore_axis_name="s")
    f = functools.partial(
        pl.kernel,
        out_type=jax.ShapeDtypeStruct((_B, _IMG), jnp.float32),
        mesh=mesh,
        compiler_params=pltpu.CompilerParams(needs_layout_passes=False),
        scratch_types=[
            pltpu.VMEM((3 * _N,), jnp.float32),
            pltpu.VMEM((_IMG_PAD,), jnp.float32),
        ],
    )(_render_body)
    return f(pts)


def kernel(input):
    pts = input.reshape(_B, 3 * _N)
    out = _render(pts)
    return out.reshape(_B, _H, _W)

# --- scband reference (transcript-rebuilt; emitter-appended) ---
"""Pipeline reference for scband-renderer-68496138436786 (READ-ONLY COPY).

The authoritative reference and input builder live on the scoring server;
editing this copy changes nothing except your own understanding.
"""

import jax, jax.numpy as jnp
import numpy as np

HEIGHT = 256
WIDTH = 256
RADIUS = 1.5
BACKGROUND = 1.0
BIG = 1e9


def setup_inputs(seed: int = 0) -> dict:
    key = jax.random.key(seed)
    # B x N x 3 points with (x, y, z) in [0, 1): x,y are normalized image
    # coordinates, z is normalized depth.
    pts = jax.random.uniform(key, (32, 8192, 3), dtype=jnp.float32)
    return {"input": pts}


def reference(input):
    """Differentiable point -> depth-image renderer (Dibra et al.).

    Each 3D point is projected to pixel coordinates; every pixel whose
    center lies within `RADIUS` of the projected point receives the point's
    depth via a z-buffer (scatter-min). Pixels hit by no point keep the
    far-plane BACKGROUND value.
    """
    B, N, _ = input.shape
    H, W, R = HEIGHT, WIDTH, RADIUS
    x = input[..., 0] * (W - 1)  # [B, N] projected column
    y = input[..., 1] * (H - 1)  # [B, N] projected row
    z = input[..., 2]            # [B, N] depth
    cx = jnp.floor(x)
    cy = jnp.floor(y)
    base = jnp.arange(B, dtype=jnp.int32)[:, None] * (H * W)
    img = jnp.full((B * H * W,), BACKGROUND, dtype=jnp.float32)
    R2 = R * R
    for dy in (-1, 0, 1):
        for dx in (-1, 0, 1):
            px = cx + dx
            py = cy + dy
            dist2 = (px - x) ** 2 + (py - y) ** 2
            inb = (px >= 0) & (px <= W - 1) & (py >= 0) & (py <= H - 1)
            mask = (dist2 <= R2) & inb
            pxi = jnp.clip(px, 0, W - 1).astype(jnp.int32)
            pyi = jnp.clip(py, 0, H - 1).astype(jnp.int32)
            idx = (base + pyi * W + pxi).reshape(-1)
            zval = jnp.where(mask, z, BIG).reshape(-1)
            img = img.at[idx].min(zval)
    return img.reshape(B, H, W)

if __name__ == "__main__":
    import jax
    _d = setup_inputs()
    print(jax.jit(kernel)(*tuple(_d.values())))

</pallas_src>

<mosaic_0001>
#map = affine_map<(d0, d1) -> (0, 0)>
module attributes {stable_mosaic.version = 14 : i64} {
  func.func @_render_body(%arg0: i32, %arg1: i32, %arg2: memref<32x24576xf32, #tpu.memory_space<hbm>>, %arg3: memref<32x65536xf32, #tpu.memory_space<hbm>>, %arg4: memref<24576xf32, #tpu.memory_space<vmem>>, %arg5: memref<65552xf32, #tpu.memory_space<vmem>>) attributes {dimension_semantics = [#tpu.dimension_semantics<core_parallel>, #tpu.dimension_semantics<subcore_parallel>], iteration_bounds = array<i64: 2, 16>, scalar_prefetch = 0 : i64, scratch_operands = 2 : i64, tpu.core_type = #tpu.core_type<sc_vector_subcore>, window_params = [{transform_indices = #map}, {transform_indices = #map}]} {
    %mul3A = arith.constant 2 : i32
    %mul3A_0 = arith.muli %arg1, %mul3A : i32
    %add3A = arith.addi %mul3A_0, %arg0 : i32
    "tpu.region"() ({
      %run_scoped3A = tpu.sem_alloc : memref<!tpu.dma_semaphore, #tpu.memory_space<semaphore_mem>>
      %dma_start3A = arith.constant 0 : i32
      %dma_start3A_25 = tpu.memref_slice %arg2[%add3A, %dma_start3A] : memref<32x24576xf32, #tpu.memory_space<hbm>> -> memref<1x24576xf32, #tpu.memory_space<hbm>>
      %dma_start3A_26 = tpu.memref_squeeze %dma_start3A_25 : memref<1x24576xf32, #tpu.memory_space<hbm>> -> memref<24576xf32, #tpu.memory_space<hbm>>
      %dma_start3A_27 = arith.constant 0 : i32
      %dma_start3A_28 = tpu.memref_slice %arg2[%add3A, %dma_start3A_27] : memref<32x24576xf32, #tpu.memory_space<hbm>> -> memref<1x24576xf32, #tpu.memory_space<hbm>>
      %dma_start3A_29 = tpu.memref_squeeze %dma_start3A_28 : memref<1x24576xf32, #tpu.memory_space<hbm>> -> memref<24576xf32, #tpu.memory_space<hbm>>
      tpu.enqueue_dma source(%dma_start3A_29 : memref<24576xf32, #tpu.memory_space<hbm>>) target(%arg4 : memref<24576xf32, #tpu.memory_space<vmem>>) target_semaphore(%run_scoped3A : memref<!tpu.dma_semaphore, #tpu.memory_space<semaphore_mem>>)
      %dma_wait3A = arith.constant 0 : i32
      %dma_wait3A_30 = tpu.memref_slice %arg2[%add3A, %dma_wait3A] : memref<32x24576xf32, #tpu.memory_space<hbm>> -> memref<1x24576xf32, #tpu.memory_space<hbm>>
      %dma_wait3A_31 = tpu.memref_squeeze %dma_wait3A_30 : memref<1x24576xf32, #tpu.memory_space<hbm>> -> memref<24576xf32, #tpu.memory_space<hbm>>
      %dma_wait3A_32 = arith.constant 0 : i32
      %dma_wait3A_33 = tpu.memref_slice %arg2[%add3A, %dma_wait3A_32] : memref<32x24576xf32, #tpu.memory_space<hbm>> -> memref<1x24576xf32, #tpu.memory_space<hbm>>
      %dma_wait3A_34 = tpu.memref_squeeze %dma_wait3A_33 : memref<1x24576xf32, #tpu.memory_space<hbm>> -> memref<24576xf32, #tpu.memory_space<hbm>>
      tpu.wait_dma2 semaphore(%run_scoped3A : memref<!tpu.dma_semaphore, #tpu.memory_space<semaphore_mem>>) src(%dma_wait3A_34 : memref<24576xf32, #tpu.memory_space<hbm>>) dst(%arg4 : memref<24576xf32, #tpu.memory_space<vmem>>)
      tpu.yield
    }) : () -> ()
    %broadcast_in_dim3A = arith.constant 1.000000e+00 : f32
    %broadcast_in_dim3A_1 = vector.broadcast %broadcast_in_dim3A : f32 to vector<16xf32>
    %scan3A = arith.constant 0 : i32
    %scan3A_2 = arith.constant 0 : i32
    %scan3A_3 = arith.constant 4097 : i32
    %scan3A_4 = arith.addi %scan3A_2, %scan3A_3 : i32
    %scan3A_5 = arith.constant 1 : i32
    scf.for %scan3A_25 = %scan3A_2 to %scan3A_4 step %scan3A_5  : i32 {
      %mul3A_26 = arith.constant 16 : i32
      %mul3A_27 = arith.muli %scan3A_25, %mul3A_26 : i32
      %swap3A = arith.index_cast %mul3A_27 : i32 to index
      %swap3A_28 = tpu.vector_load %arg5[%swap3A] {strides = array<i32>} : memref<65552xf32, #tpu.memory_space<vmem>>, vector<16xf32>,
      tpu.vector_store %arg5[%swap3A], %broadcast_in_dim3A_1 {strides = array<i32>} : memref<65552xf32, #tpu.memory_space<vmem>>, vector<16xf32>,
    }
    %scan3A_6 = arith.constant 4097 : i32
    %iota3A = tpu.iota {dimensions = array<i32: 0>} : vector<16xi32>
    %mul3A_7 = arith.constant 3 : i32
    %mul3A_8 = vector.broadcast %mul3A_7 : i32 to vector<16xi32>
    %mul3A_9 = arith.muli %iota3A, %mul3A_8 : vector<16xi32>
    %sub3A = arith.constant 1 : i32
    %sub3A_10 = vector.broadcast %sub3A : i32 to vector<16xi32>
    %sub3A_11 = arith.subi %iota3A, %sub3A_10 : vector<16xi32>
    %max3A = arith.constant 0 : i32
    %max3A_12 = vector.broadcast %max3A : i32 to vector<16xi32>
    %max3A_13 = arith.maxsi %sub3A_11, %max3A_12 : vector<16xi32>
    %eq3A = arith.constant 0 : i32
    %eq3A_14 = vector.broadcast %eq3A : i32 to vector<16xi32>
    %eq3A_15 = arith.cmpi eq, %iota3A, %eq3A_14 : vector<16xi32>
    %add3A_16 = arith.constant 65536 : i32
    %add3A_17 = vector.broadcast %add3A_16 : i32 to vector<16xi32>
    %add3A_18 = arith.addi %iota3A, %add3A_17 : vector<16xi32>
    %scan3A_19 = arith.constant 0 : i32
    %scan3A_20 = arith.constant 0 : i32
    %scan3A_21 = arith.constant 512 : i32
    %scan3A_22 = arith.addi %scan3A_20, %scan3A_21 : i32
    %scan3A_23 = arith.constant 1 : i32
    scf.for %scan3A_25 = %scan3A_20 to %scan3A_22 step %scan3A_23  : i32 {
      %mul3A_26 = arith.constant 48 : i32
      %mul3A_27 = arith.muli %scan3A_25, %mul3A_26 : i32
      %add3A_28 = vector.broadcast %mul3A_27 : i32 to vector<16xi32>
      %add3A_29 = arith.addi %mul3A_9, %add3A_28 : vector<16xi32>
      %gather3A = tpu.vector_load_idx %arg4[%add3A_29] : memref<24576xf32, #tpu.memory_space<vmem>>[vector<16xi32>], vector<16xf32>,
      %add3A_30 = vector.broadcast %mul3A_27 : i32 to vector<16xi32>
      %add3A_31 = arith.addi %mul3A_9, %add3A_30 : vector<16xi32>
      %add3A_32 = arith.constant 1 : i32
      %add3A_33 = vector.broadcast %add3A_32 : i32 to vector<16xi32>
      %add3A_34 = arith.addi %add3A_31, %add3A_33 : vector<16xi32>
      %gather3A_35 = tpu.vector_load_idx %arg4[%add3A_34] : memref<24576xf32, #tpu.memory_space<vmem>>[vector<16xi32>], vector<16xf32>,
      %add3A_36 = vector.broadcast %mul3A_27 : i32 to vector<16xi32>
      %add3A_37 = arith.addi %mul3A_9, %add3A_36 : vector<16xi32>
      %add3A_38 = arith.constant 2 : i32
      %add3A_39 = vector.broadcast %add3A_38 : i32 to vector<16xi32>
      %add3A_40 = arith.addi %add3A_37, %add3A_39 : vector<16xi32>
      %gather3A_41 = tpu.vector_load_idx %arg4[%add3A_40] : memref<24576xf32, #tpu.memory_space<vmem>>[vector<16xi32>], vector<16xf32>,
      %masked_sort3A = arith.constant dense<true> : vector<16xi1>
      %masked_sort3A_42, %masked_sort3A_43, %masked_sort3A_44 = tpu.sort %gather3A_41, %iota3A masked %masked_sort3A : (vector<16xf32>, vector<16xi32>, vector<16xi1>) -> (vector<16xi1>, vector<16xf32>, vector<16xi32>)
      %broadcast_in_dim3A_45 = vector.shape_cast %masked_sort3A_44 : vector<16xi32> to vector<16x1xi32>
      %gather3A_46 = vector.shape_cast %broadcast_in_dim3A_45 : vector<16x1xi32> to vector<16xi32>
      %gather3A_47 = tpu.dynamic_gather %gather3A[%gather3A_46] in [0] : vector<16xf32>, vector<16xi32> -> vector<16xf32>
      %broadcast_in_dim3A_48 = vector.shape_cast %masked_sort3A_44 : vector<16xi32> to vector<16x1xi32>
      %gather3A_49 = vector.shape_cast %broadcast_in_dim3A_48 : vector<16x1xi32> to vector<16xi32>
      %gather3A_50 = tpu.dynamic_gather %gather3A_35[%gather3A_49] in [0] : vector<16xf32>, vector<16xi32> -> vector<16xf32>
      %mul3A_51 = arith.constant 2.550000e+02 : f32
      %mul3A_52 = vector.broadcast %mul3A_51 : f32 to vector<16xf32>
      %mul3A_53 = arith.mulf %gather3A_47, %mul3A_52 : vector<16xf32>
      %mul3A_54 = arith.constant 2.550000e+02 : f32
      %mul3A_55 = vector.broadcast %mul3A_54 : f32 to vector<16xf32>
      %mul3A_56 = arith.mulf %gather3A_50, %mul3A_55 : vector<16xf32>
      %convert_element_type3A = arith.fptosi %mul3A_53 : vector<16xf32> to vector<16xi32>
      %convert_element_type3A_57 = arith.fptosi %mul3A_56 : vector<16xf32> to vector<16xi32>
      %convert_element_type3A_58 = arith.sitofp %convert_element_type3A : vector<16xi32> to vector<16xf32>
      %sub3A_59 = arith.subf %mul3A_53, %convert_element_type3A_58 : vector<16xf32>
      %convert_element_type3A_60 = arith.sitofp %convert_element_type3A_57 : vector<16xi32> to vector<16xf32>
      %sub3A_61 = arith.subf %mul3A_56, %convert_element_type3A_60 : vector<16xf32>
      %mul3A_62 = arith.constant 256 : i32
      %mul3A_63 = vector.broadcast %mul3A_62 : i32 to vector<16xi32>
      %mul3A_64 = arith.muli %convert_element_type3A_57, %mul3A_63 : vector<16xi32>
      %add3A_65 = arith.addi %mul3A_64, %convert_element_type3A : vector<16xi32>
      %add3A_66 = arith.constant 1.000000e+00 : f32
      %add3A_67 = vector.broadcast %add3A_66 : f32 to vector<16xf32>
      %add3A_68 = arith.addf %add3A_67, %sub3A_59 : vector<16xf32>
      %sub3A_69 = arith.constant 1.000000e+00 : f32
      %sub3A_70 = vector.broadcast %sub3A_69 : f32 to vector<16xf32>
      %sub3A_71 = arith.subf %sub3A_70, %sub3A_59 : vector<16xf32>
      %add3A_72 = arith.constant 1.000000e+00 : f32
      %add3A_73 = vector.broadcast %add3A_72 : f32 to vector<16xf32>
      %add3A_74 = arith.addf %add3A_73, %sub3A_61 : vector<16xf32>
      %sub3A_75 = arith.constant 1.000000e+00 : f32
      %sub3A_76 = vector.broadcast %sub3A_75 : f32 to vector<16xf32>
      %sub3A_77 = arith.subf %sub3A_76, %sub3A_61 : vector<16xf32>
      %mul3A_78 = arith.mulf %add3A_68, %add3A_68 : vector<16xf32>
      %mul3A_79 = arith.mulf %sub3A_59, %sub3A_59 : vector<16xf32>
      %mul3A_80 = arith.mulf %sub3A_71, %sub3A_71 : vector<16xf32>
      %mul3A_81 = arith.mulf %add3A_74, %add3A_74 : vector<16xf32>
      %mul3A_82 = arith.mulf %sub3A_61, %sub3A_61 : vector<16xf32>
      %mul3A_83 = arith.mulf %sub3A_77, %sub3A_77 : vector<16xf32>
      %ge3A = arith.constant 1 : i32
      %ge3A_84 = vector.broadcast %ge3A : i32 to vector<16xi32>
      %ge3A_85 = arith.cmpi sge, %convert_element_type3A, %ge3A_84 : vector<16xi32>
      %le3A = arith.constant 254 : i32
      %le3A_86 = vector.broadcast %le3A : i32 to vector<16xi32>
      %le3A_87 = arith.cmpi sle, %convert_element_type3A, %le3A_86 : vector<16xi32>
      %ge3A_88 = arith.constant 1 : i32
      %ge3A_89 = vector.broadcast %ge3A_88 : i32 to vector<16xi32>
      %ge3A_90 = arith.cmpi sge, %convert_element_type3A_57, %ge3A_89 : vector<16xi32>
      %le3A_91 = arith.constant 254 : i32
      %le3A_92 = vector.broadcast %le3A_91 : i32 to vector<16xi32>
      %le3A_93 = arith.cmpi sle, %convert_element_type3A_57, %le3A_92 : vector<16xi32>
      %add3A_94 = arith.addf %mul3A_78, %mul3A_81 : vector<16xf32>
      %le3A_95 = arith.constant 2.250000e+00 : f32
      %le3A_96 = vector.broadcast %le3A_95 : f32 to vector<16xf32>
      %le3A_97 = arith.cmpf ole, %add3A_94, %le3A_96 : vector<16xf32>
      %and3A = arith.andi %le3A_97, %ge3A_85 : vector<16xi1>
      %and3A_98 = arith.andi %and3A, %ge3A_90 : vector<16xi1>
      %add3A_99 = arith.constant -257 : i32
      %add3A_100 = vector.broadcast %add3A_99 : i32 to vector<16xi32>
      %add3A_101 = arith.addi %add3A_65, %add3A_100 : vector<16xi32>
      %select_n3A = arith.select %and3A_98, %add3A_101, %add3A_18 : vector<16xi1>, vector<16xi32>
      %jit3A = arith.constant 1.000000e+09 : f32
      %broadcast_in_dim3A_102 = vector.broadcast %jit3A : f32 to vector<16xf32>
      %select_n3A_103 = arith.select %and3A_98, %masked_sort3A_43, %broadcast_in_dim3A_102 : vector<16xi1>, vector<16xf32>
      %mul3A_104 = arith.constant 16 : i32
      %mul3A_105 = vector.broadcast %mul3A_104 : i32 to vector<16xi32>
      %mul3A_106 = arith.muli %select_n3A, %mul3A_105 : vector<16xi32>
      %add3A_107 = arith.addi %mul3A_106, %iota3A : vector<16xi32>
      %masked_sort3A_108 = arith.constant dense<true> : vector<16xi1>
      %masked_sort3A_109 = arith.constant -2147483648 : i32
      %masked_sort3A_110 = vector.broadcast %masked_sort3A_109 : i32 to vector<16xi32>
      %masked_sort3A_111 = arith.xori %add3A_107, %masked_sort3A_110 : vector<16xi32>
      %masked_sort3A_112, %masked_sort3A_113, %masked_sort3A_114 = tpu.sort %masked_sort3A_111, %select_n3A_103 masked %masked_sort3A_108 : (vector<16xi32>, vector<16xf32>, vector<16xi1>) -> (vector<16xi1>, vector<16xi32>, vector<16xf32>)
      %masked_sort3A_115 = arith.xori %masked_sort3A_113, %masked_sort3A_110 : vector<16xi32>
      %shift_right_logical3A = arith.constant 4 : i32
      %shift_right_logical3A_116 = vector.broadcast %shift_right_logical3A : i32 to vector<16xi32>
      %shift_right_logical3A_117 = arith.shrui %masked_sort3A_115, %shift_right_logical3A_116 : vector<16xi32>
      %broadcast_in_dim3A_118 = vector.shape_cast %max3A_13 : vector<16xi32> to vector<16x1xi32>
      %gather3A_119 = vector.shape_cast %broadcast_in_dim3A_118 : vector<16x1xi32> to vector<16xi32>
      %gather3A_120 = tpu.dynamic_gather %shift_right_logical3A_117[%gather3A_119] in [0] : vector<16xi32>, vector<16xi32> -> vector<16xi32>
      %ne3A = arith.cmpi ne, %gather3A_120, %shift_right_logical3A_117 : vector<16xi32>
      %or3A = arith.ori %ne3A, %eq3A_15 : vector<16xi1>
      %gather3A_121 = tpu.vector_load_idx %arg5[%shift_right_logical3A_117] : memref<65552xf32, #tpu.memory_space<vmem>>[vector<16xi32>], vector<16xf32>,
      %min3A = arith.minimumf %gather3A_121, %masked_sort3A_114 : vector<16xf32>
      tpu.vector_store_idx %arg5[%shift_right_logical3A_117], %min3A masked %or3A : memref<65552xf32, #tpu.memory_space<vmem>>[vector<16xi32>], vector<16xf32>, vector<16xi1>
      %add3A_122 = arith.addf %mul3A_79, %mul3A_81 : vector<16xf32>
      %le3A_123 = arith.constant 2.250000e+00 : f32
      %le3A_124 = vector.broadcast %le3A_123 : f32 to vector<16xf32>
      %le3A_125 = arith.cmpf ole, %add3A_122, %le3A_124 : vector<16xf32>
      %and3A_126 = arith.andi %le3A_125, %ge3A_90 : vector<16xi1>
      %add3A_127 = arith.constant -256 : i32
      %add3A_128 = vector.broadcast %add3A_127 : i32 to vector<16xi32>
      %add3A_129 = arith.addi %add3A_65, %add3A_128 : vector<16xi32>
      %select_n3A_130 = arith.select %and3A_126, %add3A_129, %add3A_18 : vector<16xi1>, vector<16xi32>
      %jit3A_131 = arith.constant 1.000000e+09 : f32
      %broadcast_in_dim3A_132 = vector.broadcast %jit3A_131 : f32 to vector<16xf32>
      %select_n3A_133 = arith.select %and3A_126, %masked_sort3A_43, %broadcast_in_dim3A_132 : vector<16xi1>, vector<16xf32>
      %mul3A_134 = arith.constant 16 : i32
      %mul3A_135 = vector.broadcast %mul3A_134 : i32 to vector<16xi32>
      %mul3A_136 = arith.muli %select_n3A_130, %mul3A_135 : vector<16xi32>
      %add3A_137 = arith.addi %mul3A_136, %iota3A : vector<16xi32>
      %masked_sort3A_138 = arith.constant dense<true> : vector<16xi1>
      %masked_sort3A_139 = arith.constant -2147483648 : i32
      %masked_sort3A_140 = vector.broadcast %masked_sort3A_139 : i32 to vector<16xi32>
      %masked_sort3A_141 = arith.xori %add3A_137, %masked_sort3A_140 : vector<16xi32>
      %masked_sort3A_142, %masked_sort3A_143, %masked_sort3A_144 = tpu.sort %masked_sort3A_141, %select_n3A_133 masked %masked_sort3A_138 : (vector<16xi32>, vector<16xf32>, vector<16xi1>) -> (vector<16xi1>, vector<16xi32>, vector<16xf32>)
      %masked_sort3A_145 = arith.xori %masked_sort3A_143, %masked_sort3A_140 : vector<16xi32>
      %shift_right_logical3A_146 = arith.constant 4 : i32
      %shift_right_logical3A_147 = vector.broadcast %shift_right_logical3A_146 : i32 to vector<16xi32>
      %shift_right_logical3A_148 = arith.shrui %masked_sort3A_145, %shift_right_logical3A_147 : vector<16xi32>
      %broadcast_in_dim3A_149 = vector.shape_cast %max3A_13 : vector<16xi32> to vector<16x1xi32>
      %gather3A_150 = vector.shape_cast %broadcast_in_dim3A_149 : vector<16x1xi32> to vector<16xi32>
      %gather3A_151 = tpu.dynamic_gather %shift_right_logical3A_148[%gather3A_150] in [0] : vector<16xi32>, vector<16xi32> -> vector<16xi32>
      %ne3A_152 = arith.cmpi ne, %gather3A_151, %shift_right_logical3A_148 : vector<16xi32>
      %or3A_153 = arith.ori %ne3A_152, %eq3A_15 : vector<16xi1>
      %gather3A_154 = tpu.vector_load_idx %arg5[%shift_right_logical3A_148] : memref<65552xf32, #tpu.memory_space<vmem>>[vector<16xi32>], vector<16xf32>,
      %min3A_155 = arith.minimumf %gather3A_154, %masked_sort3A_144 : vector<16xf32>
      tpu.vector_store_idx %arg5[%shift_right_logical3A_148], %min3A_155 masked %or3A_153 : memref<65552xf32, #tpu.memory_space<vmem>>[vector<16xi32>], vector<16xf32>, vector<16xi1>
      %add3A_156 = arith.addf %mul3A_80, %mul3A_81 : vector<16xf32>
      %le3A_157 = arith.constant 2.250000e+00 : f32
      %le3A_158 = vector.broadcast %le3A_157 : f32 to vector<16xf32>
      %le3A_159 = arith.cmpf ole, %add3A_156, %le3A_158 : vector<16xf32>
      %and3A_160 = arith.andi %le3A_159, %le3A_87 : vector<16xi1>
      %and3A_161 = arith.andi %and3A_160, %ge3A_90 : vector<16xi1>
      %add3A_162 = arith.constant -255 : i32
      %add3A_163 = vector.broadcast %add3A_162 : i32 to vector<16xi32>
      %add3A_164 = arith.addi %add3A_65, %add3A_163 : vector<16xi32>
      %select_n3A_165 = arith.select %and3A_161, %add3A_164, %add3A_18 : vector<16xi1>, vector<16xi32>
      %jit3A_166 = arith.constant 1.000000e+09 : f32
      %broadcast_in_dim3A_167 = vector.broadcast %jit3A_166 : f32 to vector<16xf32>
      %select_n3A_168 = arith.select %and3A_161, %masked_sort3A_43, %broadcast_in_dim3A_167 : vector<16xi1>, vector<16xf32>
      %mul3A_169 = arith.constant 16 : i32
      %mul3A_170 = vector.broadcast %mul3A_169 : i32 to vector<16xi32>
      %mul3A_171 = arith.muli %select_n3A_165, %mul3A_170 : vector<16xi32>
      %add3A_172 = arith.addi %mul3A_171, %iota3A : vector<16xi32>
      %masked_sort3A_173 = arith.constant dense<true> : vector<16xi1>
      %masked_sort3A_174 = arith.constant -2147483648 : i32
      %masked_sort3A_175 = vector.broadcast %masked_sort3A_174 : i32 to vector<16xi32>
      %masked_sort3A_176 = arith.xori %add3A_172, %masked_sort3A_175 : vector<16xi32>
      %masked_sort3A_177, %masked_sort3A_178, %masked_sort3A_179 = tpu.sort %masked_sort3A_176, %select_n3A_168 masked %masked_sort3A_173 : (vector<16xi32>, vector<16xf32>, vector<16xi1>) -> (vector<16xi1>, vector<16xi32>, vector<16xf32>)
      %masked_sort3A_180 = arith.xori %masked_sort3A_178, %masked_sort3A_175 : vector<16xi32>
      %shift_right_logical3A_181 = arith.constant 4 : i32
      %shift_right_logical3A_182 = vector.broadcast %shift_right_logical3A_181 : i32 to vector<16xi32>
      %shift_right_logical3A_183 = arith.shrui %masked_sort3A_180, %shift_right_logical3A_182 : vector<16xi32>
      %broadcast_in_dim3A_184 = vector.shape_cast %max3A_13 : vector<16xi32> to vector<16x1xi32>
      %gather3A_185 = vector.shape_cast %broadcast_in_dim3A_184 : vector<16x1xi32> to vector<16xi32>
      %gather3A_186 = tpu.dynamic_gather %shift_right_logical3A_183[%gather3A_185] in [0] : vector<16xi32>, vector<16xi32> -> vector<16xi32>
      %ne3A_187 = arith.cmpi ne, %gather3A_186, %shift_right_logical3A_183 : vector<16xi32>
      %or3A_188 = arith.ori %ne3A_187, %eq3A_15 : vector<16xi1>
      %gather3A_189 = tpu.vector_load_idx %arg5[%shift_right_logical3A_183] : memref<65552xf32, #tpu.memory_space<vmem>>[vector<16xi32>], vector<16xf32>,
      %min3A_190 = arith.minimumf %gather3A_189, %masked_sort3A_179 : vector<16xf32>
      tpu.vector_store_idx %arg5[%shift_right_logical3A_183], %min3A_190 masked %or3A_188 : memref<65552xf32, #tpu.memory_space<vmem>>[vector<16xi32>], vector<16xf32>, vector<16xi1>
      %add3A_191 = arith.addf %mul3A_78, %mul3A_82 : vector<16xf32>
      %le3A_192 = arith.constant 2.250000e+00 : f32
      %le3A_193 = vector.broadcast %le3A_192 : f32 to vector<16xf32>
      %le3A_194 = arith.cmpf ole, %add3A_191, %le3A_193 : vector<16xf32>
      %and3A_195 = arith.andi %le3A_194, %ge3A_85 : vector<16xi1>
      %add3A_196 = arith.constant -1 : i32
      %add3A_197 = vector.broadcast %add3A_196 : i32 to vector<16xi32>
      %add3A_198 = arith.addi %add3A_65, %add3A_197 : vector<16xi32>
      %select_n3A_199 = arith.select %and3A_195, %add3A_198, %add3A_18 : vector<16xi1>, vector<16xi32>
      %jit3A_200 = arith.constant 1.000000e+09 : f32
      %broadcast_in_dim3A_201 = vector.broadcast %jit3A_200 : f32 to vector<16xf32>
      %select_n3A_202 = arith.select %and3A_195, %masked_sort3A_43, %broadcast_in_dim3A_201 : vector<16xi1>, vector<16xf32>
      %mul3A_203 = arith.constant 16 : i32
      %mul3A_204 = vector.broadcast %mul3A_203 : i32 to vector<16xi32>
      %mul3A_205 = arith.muli %select_n3A_199, %mul3A_204 : vector<16xi32>
      %add3A_206 = arith.addi %mul3A_205, %iota3A : vector<16xi32>
      %masked_sort3A_207 = arith.constant dense<true> : vector<16xi1>
      %masked_sort3A_208 = arith.constant -2147483648 : i32
      %masked_sort3A_209 = vector.broadcast %masked_sort3A_208 : i32 to vector<16xi32>
      %masked_sort3A_210 = arith.xori %add3A_206, %masked_sort3A_209 : vector<16xi32>
      %masked_sort3A_211, %masked_sort3A_212, %masked_sort3A_213 = tpu.sort %masked_sort3A_210, %select_n3A_202 masked %masked_sort3A_207 : (vector<16xi32>, vector<16xf32>, vector<16xi1>) -> (vector<16xi1>, vector<16xi32>, vector<16xf32>)
      %masked_sort3A_214 = arith.xori %masked_sort3A_212, %masked_sort3A_209 : vector<16xi32>
      %shift_right_logical3A_215 = arith.constant 4 : i32
      %shift_right_logical3A_216 = vector.broadcast %shift_right_logical3A_215 : i32 to vector<16xi32>
      %shift_right_logical3A_217 = arith.shrui %masked_sort3A_214, %shift_right_logical3A_216 : vector<16xi32>
      %broadcast_in_dim3A_218 = vector.shape_cast %max3A_13 : vector<16xi32> to vector<16x1xi32>
      %gather3A_219 = vector.shape_cast %broadcast_in_dim3A_218 : vector<16x1xi32> to vector<16xi32>
      %gather3A_220 = tpu.dynamic_gather %shift_right_logical3A_217[%gather3A_219] in [0] : vector<16xi32>, vector<16xi32> -> vector<16xi32>
      %ne3A_221 = arith.cmpi ne, %gather3A_220, %shift_right_logical3A_217 : vector<16xi32>
      %or3A_222 = arith.ori %ne3A_221, %eq3A_15 : vector<16xi1>
      %gather3A_223 = tpu.vector_load_idx %arg5[%shift_right_logical3A_217] : memref<65552xf32, #tpu.memory_space<vmem>>[vector<16xi32>], vector<16xf32>,
      %min3A_224 = arith.minimumf %gather3A_223, %masked_sort3A_213 : vector<16xf32>
      tpu.vector_store_idx %arg5[%shift_right_logical3A_217], %min3A_224 masked %or3A_222 : memref<65552xf32, #tpu.memory_space<vmem>>[vector<16xi32>], vector<16xf32>, vector<16xi1>
      %add3A_225 = arith.addf %mul3A_79, %mul3A_82 : vector<16xf32>
      %le3A_226 = arith.constant 2.250000e+00 : f32
      %le3A_227 = vector.broadcast %le3A_226 : f32 to vector<16xf32>
      %le3A_228 = arith.cmpf ole, %add3A_225, %le3A_227 : vector<16xf32>
      %add3A_229 = arith.constant 0 : i32
      %add3A_230 = vector.broadcast %add3A_229 : i32 to vector<16xi32>
      %add3A_231 = arith.addi %add3A_65, %add3A_230 : vector<16xi32>
      %select_n3A_232 = arith.select %le3A_228, %add3A_231, %add3A_18 : vector<16xi1>, vector<16xi32>
      %jit3A_233 = arith.constant 1.000000e+09 : f32
      %broadcast_in_dim3A_234 = vector.broadcast %jit3A_233 : f32 to vector<16xf32>
      %select_n3A_235 = arith.select %le3A_228, %masked_sort3A_43, %broadcast_in_dim3A_234 : vector<16xi1>, vector<16xf32>
      %mul3A_236 = arith.constant 16 : i32
      %mul3A_237 = vector.broadcast %mul3A_236 : i32 to vector<16xi32>
      %mul3A_238 = arith.muli %select_n3A_232, %mul3A_237 : vector<16xi32>
      %add3A_239 = arith.addi %mul3A_238, %iota3A : vector<16xi32>
      %masked_sort3A_240 = arith.constant dense<true> : vector<16xi1>
      %masked_sort3A_241 = arith.constant -2147483648 : i32
      %masked_sort3A_242 = vector.broadcast %masked_sort3A_241 : i32 to vector<16xi32>
      %masked_sort3A_243 = arith.xori %add3A_239, %masked_sort3A_242 : vector<16xi32>
      %masked_sort3A_244, %masked_sort3A_245, %masked_sort3A_246 = tpu.sort %masked_sort3A_243, %select_n3A_235 masked %masked_sort3A_240 : (vector<16xi32>, vector<16xf32>, vector<16xi1>) -> (vector<16xi1>, vector<16xi32>, vector<16xf32>)
      %masked_sort3A_247 = arith.xori %masked_sort3A_245, %masked_sort3A_242 : vector<16xi32>
      %shift_right_logical3A_248 = arith.constant 4 : i32
      %shift_right_logical3A_249 = vector.broadcast %shift_right_logical3A_248 : i32 to vector<16xi32>
      %shift_right_logical3A_250 = arith.shrui %masked_sort3A_247, %shift_right_logical3A_249 : vector<16xi32>
      %broadcast_in_dim3A_251 = vector.shape_cast %max3A_13 : vector<16xi32> to vector<16x1xi32>
      %gather3A_252 = vector.shape_cast %broadcast_in_dim3A_251 : vector<16x1xi32> to vector<16xi32>
      %gather3A_253 = tpu.dynamic_gather %shift_right_logical3A_250[%gather3A_252] in [0] : vector<16xi32>, vector<16xi32> -> vector<16xi32>
      %ne3A_254 = arith.cmpi ne, %gather3A_253, %shift_right_logical3A_250 : vector<16xi32>
      %or3A_255 = arith.ori %ne3A_254, %eq3A_15 : vector<16xi1>
      %gather3A_256 = tpu.vector_load_idx %arg5[%shift_right_logical3A_250] : memref<65552xf32, #tpu.memory_space<vmem>>[vector<16xi32>], vector<16xf32>,
      %min3A_257 = arith.minimumf %gather3A_256, %masked_sort3A_246 : vector<16xf32>
      tpu.vector_store_idx %arg5[%shift_right_logical3A_250], %min3A_257 masked %or3A_255 : memref<65552xf32, #tpu.memory_space<vmem>>[vector<16xi32>], vector<16xf32>, vector<16xi1>
      %add3A_258 = arith.addf %mul3A_80, %mul3A_82 : vector<16xf32>
      %le3A_259 = arith.constant 2.250000e+00 : f32
      %le3A_260 = vector.broadcast %le3A_259 : f32 to vector<16xf32>
      %le3A_261 = arith.cmpf ole, %add3A_258, %le3A_260 : vector<16xf32>
      %and3A_262 = arith.andi %le3A_261, %le3A_87 : vector<16xi1>
      %add3A_263 = arith.constant 1 : i32
      %add3A_264 = vector.broadcast %add3A_263 : i32 to vector<16xi32>
      %add3A_265 = arith.addi %add3A_65, %add3A_264 : vector<16xi32>
      %select_n3A_266 = arith.select %and3A_262, %add3A_265, %add3A_18 : vector<16xi1>, vector<16xi32>
      %jit3A_267 = arith.constant 1.000000e+09 : f32
      %broadcast_in_dim3A_268 = vector.broadcast %jit3A_267 : f32 to vector<16xf32>
      %select_n3A_269 = arith.select %and3A_262, %masked_sort3A_43, %broadcast_in_dim3A_268 : vector<16xi1>, vector<16xf32>
      %mul3A_270 = arith.constant 16 : i32
      %mul3A_271 = vector.broadcast %mul3A_270 : i32 to vector<16xi32>
      %mul3A_272 = arith.muli %select_n3A_266, %mul3A_271 : vector<16xi32>
      %add3A_273 = arith.addi %mul3A_272, %iota3A : vector<16xi32>
      %masked_sort3A_274 = arith.constant dense<true> : vector<16xi1>
      %masked_sort3A_275 = arith.constant -2147483648 : i32
      %masked_sort3A_276 = vector.broadcast %masked_sort3A_275 : i32 to vector<16xi32>
      %masked_sort3A_277 = arith.xori %add3A_273, %masked_sort3A_276 : vector<16xi32>
      %masked_sort3A_278, %masked_sort3A_279, %masked_sort3A_280 = tpu.sort %masked_sort3A_277, %select_n3A_269 masked %masked_sort3A_274 : (vector<16xi32>, vector<16xf32>, vector<16xi1>) -> (vector<16xi1>, vector<16xi32>, vector<16xf32>)
      %masked_sort3A_281 = arith.xori %masked_sort3A_279, %masked_sort3A_276 : vector<16xi32>
      %shift_right_logical3A_282 = arith.constant 4 : i32
      %shift_right_logical3A_283 = vector.broadcast %shift_right_logical3A_282 : i32 to vector<16xi32>
      %shift_right_logical3A_284 = arith.shrui %masked_sort3A_281, %shift_right_logical3A_283 : vector<16xi32>
      %broadcast_in_dim3A_285 = vector.shape_cast %max3A_13 : vector<16xi32> to vector<16x1xi32>
      %gather3A_286 = vector.shape_cast %broadcast_in_dim3A_285 : vector<16x1xi32> to vector<16xi32>
      %gather3A_287 = tpu.dynamic_gather %shift_right_logical3A_284[%gather3A_286] in [0] : vector<16xi32>, vector<16xi32> -> vector<16xi32>
      %ne3A_288 = arith.cmpi ne, %gather3A_287, %shift_right_logical3A_284 : vector<16xi32>
      %or3A_289 = arith.ori %ne3A_288, %eq3A_15 : vector<16xi1>
      %gather3A_290 = tpu.vector_load_idx %arg5[%shift_right_logical3A_284] : memref<65552xf32, #tpu.memory_space<vmem>>[vector<16xi32>], vector<16xf32>,
      %min3A_291 = arith.minimumf %gather3A_290, %masked_sort3A_280 : vector<16xf32>
      tpu.vector_store_idx %arg5[%shift_right_logical3A_284], %min3A_291 masked %or3A_289 : memref<65552xf32, #tpu.memory_space<vmem>>[vector<16xi32>], vector<16xf32>, vector<16xi1>
      %add3A_292 = arith.addf %mul3A_78, %mul3A_83 : vector<16xf32>
      %le3A_293 = arith.constant 2.250000e+00 : f32
      %le3A_294 = vector.broadcast %le3A_293 : f32 to vector<16xf32>
      %le3A_295 = arith.cmpf ole, %add3A_292, %le3A_294 : vector<16xf32>
      %and3A_296 = arith.andi %le3A_295, %ge3A_85 : vector<16xi1>
      %and3A_297 = arith.andi %and3A_296, %le3A_93 : vector<16xi1>
      %add3A_298 = arith.constant 255 : i32
      %add3A_299 = vector.broadcast %add3A_298 : i32 to vector<16xi32>
      %add3A_300 = arith.addi %add3A_65, %add3A_299 : vector<16xi32>
      %select_n3A_301 = arith.select %and3A_297, %add3A_300, %add3A_18 : vector<16xi1>, vector<16xi32>
      %jit3A_302 = arith.constant 1.000000e+09 : f32
      %broadcast_in_dim3A_303 = vector.broadcast %jit3A_302 : f32 to vector<16xf32>
      %select_n3A_304 = arith.select %and3A_297, %masked_sort3A_43, %broadcast_in_dim3A_303 : vector<16xi1>, vector<16xf32>
      %mul3A_305 = arith.constant 16 : i32
      %mul3A_306 = vector.broadcast %mul3A_305 : i32 to vector<16xi32>
      %mul3A_307 = arith.muli %select_n3A_301, %mul3A_306 : vector<16xi32>
      %add3A_308 = arith.addi %mul3A_307, %iota3A : vector<16xi32>
      %masked_sort3A_309 = arith.constant dense<true> : vector<16xi1>
      %masked_sort3A_310 = arith.constant -2147483648 : i32
      %masked_sort3A_311 = vector.broadcast %masked_sort3A_310 : i32 to vector<16xi32>
      %masked_sort3A_312 = arith.xori %add3A_308, %masked_sort3A_311 : vector<16xi32>
      %masked_sort3A_313, %masked_sort3A_314, %masked_sort3A_315 = tpu.sort %masked_sort3A_312, %select_n3A_304 masked %masked_sort3A_309 : (vector<16xi32>, vector<16xf32>, vector<16xi1>) -> (vector<16xi1>, vector<16xi32>, vector<16xf32>)
      %masked_sort3A_316 = arith.xori %masked_sort3A_314, %masked_sort3A_311 : vector<16xi32>
      %shift_right_logical3A_317 = arith.constant 4 : i32
      %shift_right_logical3A_318 = vector.broadcast %shift_right_logical3A_317 : i32 to vector<16xi32>
      %shift_right_logical3A_319 = arith.shrui %masked_sort3A_316, %shift_right_logical3A_318 : vector<16xi32>
      %broadcast_in_dim3A_320 = vector.shape_cast %max3A_13 : vector<16xi32> to vector<16x1xi32>
      %gather3A_321 = vector.shape_cast %broadcast_in_dim3A_320 : vector<16x1xi32> to vector<16xi32>
      %gather3A_322 = tpu.dynamic_gather %shift_right_logical3A_319[%gather3A_321] in [0] : vector<16xi32>, vector<16xi32> -> vector<16xi32>
      %ne3A_323 = arith.cmpi ne, %gather3A_322, %shift_right_logical3A_319 : vector<16xi32>
      %or3A_324 = arith.ori %ne3A_323, %eq3A_15 : vector<16xi1>
      %gather3A_325 = tpu.vector_load_idx %arg5[%shift_right_logical3A_319] : memref<65552xf32, #tpu.memory_space<vmem>>[vector<16xi32>], vector<16xf32>,
      %min3A_326 = arith.minimumf %gather3A_325, %masked_sort3A_315 : vector<16xf32>
      tpu.vector_store_idx %arg5[%shift_right_logical3A_319], %min3A_326 masked %or3A_324 : memref<65552xf32, #tpu.memory_space<vmem>>[vector<16xi32>], vector<16xf32>, vector<16xi1>
      %add3A_327 = arith.addf %mul3A_79, %mul3A_83 : vector<16xf32>
      %le3A_328 = arith.constant 2.250000e+00 : f32
      %le3A_329 = vector.broadcast %le3A_328 : f32 to vector<16xf32>
      %le3A_330 = arith.cmpf ole, %add3A_327, %le3A_329 : vector<16xf32>
      %and3A_331 = arith.andi %le3A_330, %le3A_93 : vector<16xi1>
      %add3A_332 = arith.constant 256 : i32
      %add3A_333 = vector.broadcast %add3A_332 : i32 to vector<16xi32>
      %add3A_334 = arith.addi %add3A_65, %add3A_333 : vector<16xi32>
      %select_n3A_335 = arith.select %and3A_331, %add3A_334, %add3A_18 : vector<16xi1>, vector<16xi32>
      %jit3A_336 = arith.constant 1.000000e+09 : f32
      %broadcast_in_dim3A_337 = vector.broadcast %jit3A_336 : f32 to vector<16xf32>
      %select_n3A_338 = arith.select %and3A_331, %masked_sort3A_43, %broadcast_in_dim3A_337 : vector<16xi1>, vector<16xf32>
      %mul3A_339 = arith.constant 16 : i32
      %mul3A_340 = vector.broadcast %mul3A_339 : i32 to vector<16xi32>
      %mul3A_341 = arith.muli %select_n3A_335, %mul3A_340 : vector<16xi32>
      %add3A_342 = arith.addi %mul3A_341, %iota3A : vector<16xi32>
      %masked_sort3A_343 = arith.constant dense<true> : vector<16xi1>
      %masked_sort3A_344 = arith.constant -2147483648 : i32
      %masked_sort3A_345 = vector.broadcast %masked_sort3A_344 : i32 to vector<16xi32>
      %masked_sort3A_346 = arith.xori %add3A_342, %masked_sort3A_345 : vector<16xi32>
      %masked_sort3A_347, %masked_sort3A_348, %masked_sort3A_349 = tpu.sort %masked_sort3A_346, %select_n3A_338 masked %masked_sort3A_343 : (vector<16xi32>, vector<16xf32>, vector<16xi1>) -> (vector<16xi1>, vector<16xi32>, vector<16xf32>)
      %masked_sort3A_350 = arith.xori %masked_sort3A_348, %masked_sort3A_345 : vector<16xi32>
      %shift_right_logical3A_351 = arith.constant 4 : i32
      %shift_right_logical3A_352 = vector.broadcast %shift_right_logical3A_351 : i32 to vector<16xi32>
      %shift_right_logical3A_353 = arith.shrui %masked_sort3A_350, %shift_right_logical3A_352 : vector<16xi32>
      %broadcast_in_dim3A_354 = vector.shape_cast %max3A_13 : vector<16xi32> to vector<16x1xi32>
      %gather3A_355 = vector.shape_cast %broadcast_in_dim3A_354 : vector<16x1xi32> to vector<16xi32>
      %gather3A_356 = tpu.dynamic_gather %shift_right_logical3A_353[%gather3A_355] in [0] : vector<16xi32>, vector<16xi32> -> vector<16xi32>
      %ne3A_357 = arith.cmpi ne, %gather3A_356, %shift_right_logical3A_353 : vector<16xi32>
      %or3A_358 = arith.ori %ne3A_357, %eq3A_15 : vector<16xi1>
      %gather3A_359 = tpu.vector_load_idx %arg5[%shift_right_logical3A_353] : memref<65552xf32, #tpu.memory_space<vmem>>[vector<16xi32>], vector<16xf32>,
      %min3A_360 = arith.minimumf %gather3A_359, %masked_sort3A_349 : vector<16xf32>
      tpu.vector_store_idx %arg5[%shift_right_logical3A_353], %min3A_360 masked %or3A_358 : memref<65552xf32, #tpu.memory_space<vmem>>[vector<16xi32>], vector<16xf32>, vector<16xi1>
      %add3A_361 = arith.addf %mul3A_80, %mul3A_83 : vector<16xf32>
      %le3A_362 = arith.constant 2.250000e+00 : f32
      %le3A_363 = vector.broadcast %le3A_362 : f32 to vector<16xf32>
      %le3A_364 = arith.cmpf ole, %add3A_361, %le3A_363 : vector<16xf32>
      %and3A_365 = arith.andi %le3A_364, %le3A_87 : vector<16xi1>
      %and3A_366 = arith.andi %and3A_365, %le3A_93 : vector<16xi1>
      %add3A_367 = arith.constant 257 : i32
      %add3A_368 = vector.broadcast %add3A_367 : i32 to vector<16xi32>
      %add3A_369 = arith.addi %add3A_65, %add3A_368 : vector<16xi32>
      %select_n3A_370 = arith.select %and3A_366, %add3A_369, %add3A_18 : vector<16xi1>, vector<16xi32>
      %jit3A_371 = arith.constant 1.000000e+09 : f32
      %broadcast_in_dim3A_372 = vector.broadcast %jit3A_371 : f32 to vector<16xf32>
      %select_n3A_373 = arith.select %and3A_366, %masked_sort3A_43, %broadcast_in_dim3A_372 : vector<16xi1>, vector<16xf32>
      %mul3A_374 = arith.constant 16 : i32
      %mul3A_375 = vector.broadcast %mul3A_374 : i32 to vector<16xi32>
      %mul3A_376 = arith.muli %select_n3A_370, %mul3A_375 : vector<16xi32>
      %add3A_377 = arith.addi %mul3A_376, %iota3A : vector<16xi32>
      %masked_sort3A_378 = arith.constant dense<true> : vector<16xi1>
      %masked_sort3A_379 = arith.constant -2147483648 : i32
      %masked_sort3A_380 = vector.broadcast %masked_sort3A_379 : i32 to vector<16xi32>
      %masked_sort3A_381 = arith.xori %add3A_377, %masked_sort3A_380 : vector<16xi32>
      %masked_sort3A_382, %masked_sort3A_383, %masked_sort3A_384 = tpu.sort %masked_sort3A_381, %select_n3A_373 masked %masked_sort3A_378 : (vector<16xi32>, vector<16xf32>, vector<16xi1>) -> (vector<16xi1>, vector<16xi32>, vector<16xf32>)
      %masked_sort3A_385 = arith.xori %masked_sort3A_383, %masked_sort3A_380 : vector<16xi32>
      %shift_right_logical3A_386 = arith.constant 4 : i32
      %shift_right_logical3A_387 = vector.broadcast %shift_right_logical3A_386 : i32 to vector<16xi32>
      %shift_right_logical3A_388 = arith.shrui %masked_sort3A_385, %shift_right_logical3A_387 : vector<16xi32>
      %broadcast_in_dim3A_389 = vector.shape_cast %max3A_13 : vector<16xi32> to vector<16x1xi32>
      %gather3A_390 = vector.shape_cast %broadcast_in_dim3A_389 : vector<16x1xi32> to vector<16xi32>
      %gather3A_391 = tpu.dynamic_gather %shift_right_logical3A_388[%gather3A_390] in [0] : vector<16xi32>, vector<16xi32> -> vector<16xi32>
      %ne3A_392 = arith.cmpi ne, %gather3A_391, %shift_right_logical3A_388 : vector<16xi32>
      %or3A_393 = arith.ori %ne3A_392, %eq3A_15 : vector<16xi1>
      %gather3A_394 = tpu.vector_load_idx %arg5[%shift_right_logical3A_388] : memref<65552xf32, #tpu.memory_space<vmem>>[vector<16xi32>], vector<16xf32>,
      %min3A_395 = arith.minimumf %gather3A_394, %masked_sort3A_384 : vector<16xf32>
      tpu.vector_store_idx %arg5[%shift_right_logical3A_388], %min3A_395 masked %or3A_393 : memref<65552xf32, #tpu.memory_space<vmem>>[vector<16xi32>], vector<16xf32>, vector<16xi1>
    }
    %scan3A_24 = arith.constant 512 : i32
    "tpu.region"() ({
      %run_scoped3A = tpu.sem_alloc : memref<!tpu.dma_semaphore, #tpu.memory_space<semaphore_mem>>
      %dma_start3A = arith.constant 0 : i32
      %dma_start3A_25 = tpu.memref_slice %arg5[%dma_start3A] : memref<65552xf32, #tpu.memory_space<vmem>> -> memref<65536xf32, #tpu.memory_space<vmem>>
      %dma_start3A_26 = arith.constant 0 : i32
      %dma_start3A_27 = tpu.memref_slice %arg3[%add3A, %dma_start3A_26] : memref<32x65536xf32, #tpu.memory_space<hbm>> -> memref<1x65536xf32, #tpu.memory_space<hbm>>
      %dma_start3A_28 = tpu.memref_squeeze %dma_start3A_27 : memref<1x65536xf32, #tpu.memory_space<hbm>> -> memref<65536xf32, #tpu.memory_space<hbm>>
      %dma_start3A_29 = arith.constant 0 : i32
      %dma_start3A_30 = tpu.memref_slice %arg3[%add3A, %dma_start3A_29] : memref<32x65536xf32, #tpu.memory_space<hbm>> -> memref<1x65536xf32, #tpu.memory_space<hbm>>
      %dma_start3A_31 = tpu.memref_squeeze %dma_start3A_30 : memref<1x65536xf32, #tpu.memory_space<hbm>> -> memref<65536xf32, #tpu.memory_space<hbm>>
      %dma_start3A_32 = arith.constant 0 : i32
      %dma_start3A_33 = tpu.memref_slice %arg5[%dma_start3A_32] : memref<65552xf32, #tpu.memory_space<vmem>> -> memref<65536xf32, #tpu.memory_space<vmem>>
      tpu.enqueue_dma source(%dma_start3A_33 : memref<65536xf32, #tpu.memory_space<vmem>>) target(%dma_start3A_31 : memref<65536xf32, #tpu.memory_space<hbm>>) target_semaphore(%run_scoped3A : memref<!tpu.dma_semaphore, #tpu.memory_space<semaphore_mem>>)
      %dma_wait3A = arith.constant 0 : i32
      %dma_wait3A_34 = tpu.memref_slice %arg5[%dma_wait3A] : memref<65552xf32, #tpu.memory_space<vmem>> -> memref<65536xf32, #tpu.memory_space<vmem>>
      %dma_wait3A_35 = arith.constant 0 : i32
      %dma_wait3A_36 = tpu.memref_slice %arg3[%add3A, %dma_wait3A_35] : memref<32x65536xf32, #tpu.memory_space<hbm>> -> memref<1x65536xf32, #tpu.memory_space<hbm>>
      %dma_wait3A_37 = tpu.memref_squeeze %dma_wait3A_36 : memref<1x65536xf32, #tpu.memory_space<hbm>> -> memref<65536xf32, #tpu.memory_space<hbm>>
      %dma_wait3A_38 = arith.constant 0 : i32
      %dma_wait3A_39 = tpu.memref_slice %arg3[%add3A, %dma_wait3A_38] : memref<32x65536xf32, #tpu.memory_space<hbm>> -> memref<1x65536xf32, #tpu.memory_space<hbm>>
      %dma_wait3A_40 = tpu.memref_squeeze %dma_wait3A_39 : memref<1x65536xf32, #tpu.memory_space<hbm>> -> memref<65536xf32, #tpu.memory_space<hbm>>
      %dma_wait3A_41 = arith.constant 0 : i32
      %dma_wait3A_42 = tpu.memref_slice %arg5[%dma_wait3A_41] : memref<65552xf32, #tpu.memory_space<vmem>> -> memref<65536xf32, #tpu.memory_space<vmem>>
      tpu.wait_dma2 semaphore(%run_scoped3A : memref<!tpu.dma_semaphore, #tpu.memory_space<semaphore_mem>>) src(%dma_wait3A_42 : memref<65536xf32, #tpu.memory_space<vmem>>) dst(%dma_wait3A_40 : memref<65536xf32, #tpu.memory_space<hbm>>)
      tpu.yield
    }) : () -> ()
    return
  }
}

</mosaic_0001>

<sc_bundles>
// kernel: _render.3.cloned.1.call-start
scs
__scs_entry_jumppad:
0x0: {  	(pc) =	sbr.rel $0x88, $3  }
0x1: {  	(tag) =	ssettag $0x0;
	lr =	simm.s32 $0x1  }
0x2: {  	[smem:$0x3FA0] =	sst lr;
	_ =	strace $0xD0000000  }
0x3: {  	_ = 	snop  }
0x4: {  	_ = 	snop  }
0x5: {  	_ = 	snop  }
0x6: {  	_ = 	snop  }
0x7: {  	_ = 	snop  }
__scs_overlays_trampoline_lowered:
0x8: {  	[smem:$0x3FAF] =	sst s0  }
0x9: {  	[smem:$0x3FB0] =	sst s1  }
0xa: {  	[smem:$0x3FB1] =	sst s2  }
0xb: {  	[smem:$0x3FB2] =	sst s3  }
0xc: {  	[smem:$0x3FB3] =	sst s4  }
0xd: {  	[smem:$0x3FB4] =	sst s5  }
0xe: {  	[smem:$0x3FB5] =	sst s6  }
0xf: {  	[smem:$0x3FB6] =	sst s7  }
0x10: {  	[smem:$0x3FB7] =	sst s8  }
0x11: {  	[smem:$0x3FB8] =	sst s9;
	s0 =	simm.s32 @!p0 $0x0  }
0x12: {  	s1 =	sld [smem:$0x3F9E];
	s0 =	simm.s32 @p0 $0x1  }
0x13: {  	[smem:$0x3FB9] =	sst s0;
	s0 =	simm.s32 @!p1 $0x0  }
0x14: {  	s2 =	sld [smem:$0x3F9D];
	s0 =	simm.s32 @p1 $0x1  }
0x15: {  	[smem:$0x3FBA] =	sst s0;
	s0 =	simm.s32 @!p2 $0x0  }
0x16: {  	s3 =	sld [smem:$0x3FDB];
	s0 =	simm.s32 @p2 $0x1  }
0x17: {  	s4 =	simm.s32 $0x1BF5;
	[smem:$0x3FBC] =	sst s0  }
0x18: {  	s0 =	sld [smem:$0x3F9F];
	_ =	swait.ge [sflag:s4], $0x0  }
0x19: {  	s7 =	sld [smem:$0x3FA0]  }
0x1a: {  	s8 =	sadd.s32 $0xFFFFE003, lr  }
0x1b: {  	s9 =	sadd.s32 $0xFFFFFEF7, lr;
	s5 =	simm.s32 $0xFFFFFFFF;
	p2 =	slt.u32 s8, $0xFFFFF086  }
0x1c: {  	p1 =	slt.u32 s9, $0xF7A;
	s5 =	simm.s32 @!p2 $0x0  }
0x1d: {  	s5 =	simm.s32 @p1 $0x1;
	p0 =	seq.s32 s7, s2  }
0x1e: {  	s7 =	smul.u32 @!p0 $0xF7A, s2;
	p2 =	seq.s32 @!p0 s5, $0x0  }
0x1f: {  	s9 =	smul.u32 $0xF7A, s1;
	s8 =	simm.s32 @!p0 $0x1BF5;
	p2 =	por !p2, p0  }
0x20: {  	[sflag:s8] =	ssyncset.s32 @!p0 $0xFFFFF086;
	s6 =	sadd.s32 @!p0 s3, s7;
	s7 =	simm.s32 @!p0 $0x108  }
0x21: {  	s3 =	sadd.s32 s3, s9;
	s6 =	sadd.s32 @!p0 $0x88, s6;
	s7 =	simm.s32 @p2 $0x1082  }
0x22: {  	[simem:s7], [sflag:s8] =	dma.local @!p0 [hbm:s6], $0xF7A  }
0x23: {  	s9 =	sor.u32 $0xD0000000, s2;
	s6 =	simm.s32 $0x108;
	_ =	swait.ge @!p0 [sflag:s8], $0x0  }
0x24: {  	s3 =	sadd.s32 $0x88, s3;
	s6 =	simm.s32 @!p1 $0x1082;
	[sflag:s4] =	ssyncset.s32 $0xFFFFF086  }
0x25: {  	[simem:s6], [sflag:s4] =	dma.local [hbm:s3], $0xF7A  }
0x26: {  	[smem:$0x3FA0] =	sst s1;
	(tag) =	ssettag s2;
	_ =	strace s9  }
0x27: {  	s1 =	sld [smem:$0x3FB0]  }
0x28: {  	s2 =	sld [smem:$0x3FB1]  }
0x29: {  	s4 =	sld [smem:$0x3FB3]  }
0x2a: {  	p0 =	seq.s32 s5, $0x0;
	s5 =	sld [smem:$0x3FB4]  }
0x2b: {  	s6 =	sld [smem:$0x3FB5]  }
0x2c: {  	s7 =	sld [smem:$0x3FB6]  }
0x2d: {  	s3 =	simm.s32 $0x108;
	s8 =	sld [smem:$0x3FB7]  }
0x2e: {  	s3 =	simm.s32 @!p0 $0x1082;
	s9 =	sld [smem:$0x3FB8]  }
0x2f: {  	lr =	sadd.s32 s0, s3;
	s0 =	sld [smem:$0x3FAF]  }
0x30: {  	s3 =	sld [smem:$0x3FB2]  }
0x31: {  	[smem:$0x3FBB] =	sst s10  }
0x32: {  	s10 =	sld [smem:$0x3FB9];
	_ =	sdelay $0x3  }
0x33: {  	p0 =	seq.s32 s10, $0x1;
	s10 =	sld [smem:$0x3FBB];
	_ =	sdelay $0x3  }
0x34: {  	[smem:$0x3FBB] =	sst s10  }
0x35: {  	s10 =	sld [smem:$0x3FBA];
	_ =	sdelay $0x3  }
0x36: {  	p1 =	seq.s32 s10, $0x1;
	s10 =	sld [smem:$0x3FBB];
	_ =	sdelay $0x3  }
0x37: {  	[smem:$0x3FBB] =	sst s10  }
0x38: {  	s10 =	sld [smem:$0x3FBC]  }
0x39: {  	_ = 	snop;
	(pc) =	sbr.ind lr, $3  }
0x3a: {  	_ = 	snop  }
0x3b: {  	_ = 	snop  }
0x3c: {  	p2 =	seq.s32 s10, $0x1;
	s10 =	sld [smem:$0x3FBB]  }
0x3d: {  	_ =	shalt  }
0x3e: {  	_ =	shalt  }
0x3f: {  	_ =	shalt  }
0x40: {  	_ =	shalt  }
0x41: {  	_ =	shalt  }
0x42: {  	_ =	shalt  }
0x43: {  	_ =	shalt  }
0x44: {  	_ =	shalt  }
0x45: {  	_ =	shalt  }
0x46: {  	_ =	shalt  }
0x47: {  	_ =	shalt  }
0x48: {  	_ =	shalt  }
0x49: {  	_ =	shalt  }
0x4a: {  	_ =	shalt  }
0x4b: {  	_ =	shalt  }
0x4c: {  	_ =	shalt  }
0x4d: {  	_ =	shalt  }
0x4e: {  	_ =	shalt  }
0x4f: {  	_ =	shalt  }
0x50: {  	_ =	shalt  }
0x51: {  	_ =	shalt  }
0x52: {  	_ =	shalt  }
0x53: {  	_ =	shalt  }
0x54: {  	_ =	shalt  }
0x55: {  	_ =	shalt  }
0x56: {  	_ =	shalt  }
0x57: {  	_ =	shalt  }
0x58: {  	_ =	shalt  }
0x59: {  	_ =	shalt  }
0x5a: {  	_ =	shalt  }
0x5b: {  	_ =	shalt  }
0x5c: {  	_ =	shalt  }
0x5d: {  	_ =	shalt  }
0x5e: {  	_ =	shalt  }
0x5f: {  	_ =	shalt  }
0x60: {  	_ =	shalt  }
0x61: {  	_ =	shalt  }
0x62: {  	_ =	shalt  }
0x63: {  	_ =	shalt  }
0x64: {  	_ =	shalt  }
0x65: {  	_ =	shalt  }
0x66: {  	_ =	shalt  }
0x67: {  	_ =	shalt  }
0x68: {  	_ =	shalt  }
0x69: {  	_ =	shalt  }
0x6a: {  	_ =	shalt  }
0x6b: {  	_ =	shalt  }
0x6c: {  	_ =	shalt  }
0x6d: {  	_ =	shalt  }
0x6e: {  	_ =	shalt  }
0x6f: {  	_ =	shalt  }
0x70: {  	_ =	shalt  }
0x71: {  	_ =	shalt  }
0x72: {  	_ =	shalt  }
0x73: {  	_ =	shalt  }
0x74: {  	_ =	shalt  }
0x75: {  	_ =	shalt  }
0x76: {  	_ =	shalt  }
0x77: {  	_ =	shalt  }
0x78: {  	_ =	shalt  }
0x79: {  	_ =	shalt  }
0x7a: {  	_ =	shalt  }
0x7b: {  	_ =	shalt  }
0x7c: {  	_ =	shalt  }
0x7d: {  	_ =	shalt  }
0x7e: {  	_ =	shalt  }
0x7f: {  	_ =	shalt  }
0x80: {  	_ =	shalt  }
0x81: {  	_ =	shalt  }
0x82: {  	_ =	shalt  }
0x83: {  	_ =	shalt  }
0x84: {  	_ =	shalt  }
0x85: {  	_ =	shalt  }
0x86: {  	_ =	shalt  }
0x87: {  	_ =	shalt  }
.Lfunc_end0:
.L_simem_size_0:
called_computation_lowered:
.L_overlay_start_0:
0x88: {  	s2 =	sld [smem:$0x3FD9]  }
0x89: {  	s3 =	sld [smem:$0x3FFE];
	_ =	sdelay $0x1  }
0x8a: {  	s1 =	srdreg.scid  }
0x8b: {  	s0 =	sand.u32 $0x1, s1  }
0x8c: {  	s18 =	sshll.u32 s0, $0xA;
	s2 =	sadd.s32 s3, s2  }
0x8d: {  	s2 =	sadd.s32 s2, s18  }
0x8e: {  	[smem:$0x3FC7] =	sst s2  }
0x8f: {  	_ = 	snop  }
0x90: {  	s2 =	sld [smem:$0x3FC9]  }
0x91: {  	s19 =	sld [smem:$0x3FD0];
	(tm) =	ssettm $0x1  }
0x92: {  	s4 =	sld [smem:$0x3FFB];
	_ =	sdelay $0x3  }
0x93: {  	_ =	strace s4  }
0x94: {  	s4 =	sld [smem:$0x3FFC];
	_ =	sdelay $0x3  }
0x95: {  	_ =	strace s4  }
0x96: {  	s4 =	sld [smem:$0x3FFD];
	_ =	sdelay $0x3  }
0x97: {  	_ =	strace s4  }
0x98: {  	_ =	strace $0x8FFFFFFF  }
0x99: {  	s20 =	sld [smem:$0x3FDB];
	_ =	sdelay $0x1  }
0x9a: {  	s5 =	simm.s32 $_scs_section_size  }
0x9b: {  	s6 =	simm.s32 $_size__tile_overlayer_lowered;
	s7 =	simm.s32 $_tile_overlayer_lowered  }
0x9c: {  	s23 =	simm.s32 $0x1BFF;
	s22 =	sshll.u32 s7, $0x1;
	s4 =	sadd.s32 s5, s20  }
0x9d: {  	s8 =	simm.s32 $0x0;
	s21 =	sshll.u32 s6, $0x1;
	s6 =	sadd.s32 s22, s4  }
0x9e: {  	[timem:s8], [sflag:s23] =	dma.local [hbm:s6], s21  }
0x9f: {  	_ =	swait.ge [sflag:s23], s21  }
0xa0: {  	s5 =	ssub.s32 $0x0, s21;
	[sflag:s23] =	ssyncset.done $0x0  }
0xa1: {  	[sflag:s23] =	ssyncadd.s32 s5;
	_ =	sdelay $0x1  }
0xa2: {  	s24 =	simm.s32 $0x1B8B  }
0xa3: {  	_ =	swait.ge [sflag:s24], $0x1  }
0xa4: {  	[sflag:s24] =	ssyncset.done $0x0  }
0xa5: {  	s25 =	simm.s32 $0x1B8E;
	[sflag:s24] =	ssyncadd.s32 $0xFFFFFFFF  }
0xa6: {  	s26 =	simm.s32 $execute0_lowered;
	[smem:$0x3FD2] =	sst s25  }
0xa7: {  	s5 =	sshll.u32 s26, $0x1;
	_ =	strace $0x80000046;
	[dreg:$0x1] =	wrdreg $0xFFFFFFFF  }
0xa8: {  	s28 =	simm.s32 $_size_execute0_lowered;
	s4 =	sadd.s32 s4, s5;
	[dreg:$0x0] =	wrdreg $0x0  }
0xa9: {  	s5 =	sshll.u32 s28, $0x1;
	[dreg:$0x2] =	wrdreg s4  }
0xaa: {  	[dreg:$0x3] =	wrdreg s5  }
0xab: {  	[dreg:$0x4] =	wrdreg $0xC0  }
0xac: {  	_ =	task [dreg:s8], $0x5FFFF  }
0xad: {  	[dreg:$0x1] =	wrdreg $0xFFFFFFFF  }
0xae: {  	[dreg:$0x0] =	wrdreg $0x60  }
0xaf: {  	[dreg:$0x2] =	wrdreg s2  }
0xb0: {  	[dreg:$0x3] =	wrdreg s19  }
0xb1: {  	[dreg:$0x4] =	wrdreg $0x9  }
0xb2: {  	_ =	task.clear_ibuf [dreg:s8], $0x5FFFF;
	_ =	strace $0x90000046  }
0xb3: {  	s29 =	simm.s32 $0x9;
	_ =	strace $0x80000048  }
0xb4: {  	_ =	swait.ge [sflag:s29], $0x1  }
0xb5: {  	[sflag:s29] =	ssyncadd.s32 $0xFFFFFFFF  }
0xb6: {  	_ =	strace $0x90000048  }
0xb7: {  	_ =	sfence  }
0xb8: {  	s30 =	sld [smem:$0x0];
	_ =	sdelay $0x2  }
0xb9: {  	s31 =	sshll.u32 s1, $0xD;
	s1 =	sshrl.u32 s1, $0x2  }
0xba: {  	s3 =	sand.u32 $0x4000, s31;
	s1 =	sadd.s32 s1, s30  }
0xbb: {  	s0 =	sor.u32 s3, s0;
	s1 =	sshll.u32 s1, $0x11  }
0xbc: {  	s0 =	sor.u32 s1, s0  }
0xbd: {  	s0 =	sadd.s32 $0x8F2B, s0  }
0xbe: {  	[sflag:s0] =	ssyncadd.remote.s32 $0x1  }
0xbf: {  	_ =	sfence.sel $0xFFFF  }
0xc0: {  	[dreg:$0x0] =	wrdreg $0xFFFFFFFF;
	(pc) =	sbr.abs _section_cstart, $3  }
0xc1: {  	[dreg:$0x1] =	wrdreg $0xFFFFFFFF  }
0xc2: {  	_ =	task.clear_ibuf [dreg:s8], $0x2FFFF;
	_ =	strace $0x9FFFFFFF  }
0xc3: {  	(tm) =	ssettm $0x7FFFFFFF  }
tec
execute0_lowered:
.L_overlay_start_1:
0x0: {  	(tag) =	ssettag $0x1  }
0x1: {  	s3 =	rddreg [dreg:$0x0]  }
0x2: {  	s4 =	rddreg [dreg:$0x1]  }
0x3: {  	s0 =	rddreg [dreg:$0x2];
	s2 =	simm.s32 $0x0  }
0x4: {  	v0 =	vimm.s32 $0xEDCBA987;
	s5 =	srdreg.scid;
	s1 =	stileid.u32;
	s10 =	simm.s32 $0x0  }
0x5: {  	v1 =	vimm.s32 $0x65432100;
	[smem:$0x7FF] =	sst s2;
	v2 =	vunpack.c.l.s4.s8 v0;
	s5 =	sand.u32 $0x1, s5;
	s7 =	sshll.u32 s1, $0x8;
	v0 =	vlaneseq.u32  }
0x6: {  	vm0 =	vmmov $0x1;
	s6 =	sshrl.u32 s1, $0x2;
	v3 =	vunpack.c.l.s4.s8 v1;
	s8 =	sshll.u32 s5, $0x7;
	s7 =	sand.u32 $0x300, s7;
	v1 =	vmul.u32 $0x3, v0  }
0x7: {  	s9 =	smul.u32 $0x30000, s6;
	_ =	strace $0x80000047;
	v6 =	vmul.u32 $0x11, v0;
	s5 =	ssub.s32 $0x2, s5;
	v9 =	vor.u32 $0xFFFFF010, v0;
	v10 =	vor.u32 $0xFFFFFFF0, v0  }
0x8: {  	s6 =	sshll.u32 s6, $0x13;
	v11 =	vor.u32 $0x80000000, v0;
	v12 =	vor.u32 $0x10, v0;
	v13 =	vor.u32 $0xFF0, v0;
	s7 =	sor.u32 s8, s7;
	s31 =	sshrl.u32 s5, $0x1  }
0x9: {  	v14 =	vor.u32 $0x1000, v0;
	v15 =	vor.u32 $0x1010, v0;
	v5 =	vunpack.c.0.s8.s32 v2;
	s8 =	sor.u32 s9, s7;
	s6 =	sor.u32 s6, s7;
	s5 =	ssub.s32 s5, s31  }
0xa: {  	v2 =	vimm.f32 $1.000000000e+00;
	v7 =	vunpack.c.0.s8.s32 v3;
	v3 =	vadd.s32 $0x1, v1;
	s7 =	simm.s32 $0x400;
	s9 =	simm.s32 $0x6000;
	s8 =	sshrl.u32 s8, $0x3  }
0xb: {  	v4 =	vadd.s32 $0x2, v1;
	v6 =	vor.u32 $0x80100000, v6;
	v8 =	vand.u32 $0xF, v5;
	s6 =	sshrl.u32 s6, $0x3;
	s5 =	smax.u32 s5, $0x1;
	s3 =	sadd.s32 s3, s8  }
0xc: {  	v5 =	vor.u32 $0xFFFFEFF0, v0;
	v7 =	vcombine.low v7, v8;
	s4 =	sadd.s32 s4, s6;
	v8 =	vor.u32 $0xFFFFF000, v0;
	s6 =	simm.s32 $0x80;
	s8 =	simm.s32 $0x1  }
.LBB2_1:
0xd: {  	[tilespmem:s2], [sflag:$0x1] =	stream.strided.gather [hbm4b:s3+s6], $0x6000, s7, s6, $0x38;
	[tilespmem:$0x16080] =	vst v63  }
0xe: {  	_ =	swait.ge [sflag:s8], $0x6000  }
0xf: {  	[sflag:s8] =	ssyncset.done $0x0  }
0x10: {  	s11 =	simm.s32 $0x0;
	[sflag:s8] =	ssyncadd.s32 $0xFFFFA000  }
.LBB2_2:
0x11: {  	p0 =	sne.s32 s11, $0x40000  }
.Ltmp0:
0x12: {  	_ = 	snop;
	(pc) =	sbr.rel @p0 .LBB2_2-.Ltmp0, $3  }
0x13: {  	_ =	sdelay $0x1  }
0x14: {  	s12 =	sshra.s32 s11, $0x2  }
0x15: {  	s11 =	sadd.s32 $0x40, s11;
	[tilespmem:s12+$0x6000] =	vst v2  }
0x16: {  	s11 =	simm.s32 $0x0  }
0x17: {  	v16 =	vadd.s32 s11, v4;
	_ =	sdelay $0x4  }
0x18: {  	v16 =	vld.idx.msk [tilespmem:v16+s2+$0x0], $0xffff;
	_ =	sdelay $0x4  }
0x19: {  	(xrf1) =	vsort.ascd.msk.f32 $0xffff, v16, v0;
	_ =	sdelay $0x3  }
0x1a: {  	v17 =	vadd.s32 s11, v1  }
0x1b: {  	v16 =	vadd.s32 s11, v3;
	_ =	sdelay $0x3  }
0x1c: {  	v17 =	vld.idx.msk [tilespmem:v17+s2+$0x0], $0xffff  }
0x1d: {  	v18 =	vld.idx.msk [tilespmem:v16+s2+$0x0], $0xffff;
	_ =	sdelay $0x3  }
0x1e: {  	v16, v19, _ =	vpop (xrf1)  }
0x1f: {  	v17 =	vperm.xlane v17, v19;
	v18 =	vperm.xlane v18, v19;
	_ =	sdelay $0x1  }
0x20: {  	v17 =	vmul.f32 $2.550000000e+02, v17;
	v18 =	vmul.f32 $2.550000000e+02, v18;
	_ =	sdelay $0x1  }
0x21: {  	v19 =	vtrunc.f32 v17;
	v20 =	vtrunc.f32 v18  }
0x22: {  	v19 =	vcvt.f32.s32 v19;
	v20 =	vcvt.f32.s32 v20;
	_ =	sdelay $0x1  }
0x23: {  	v21 =	vcvt.s32.f32 v19;
	v22 =	vcvt.s32.f32 v20;
	_ =	sdelay $0x1  }
0x24: {  	v21 =	vsub.f32 v17, v21;
	v18 =	vsub.f32 v18, v22;
	_ =	sdelay $0x1  }
0x25: {  	v17 =	vadd.f32 $1.000000000e+00, v21;
	v22 =	vadd.f32 $1.000000000e+00, v18;
	_ =	sdelay $0x1  }
0x26: {  	v23 =	vmul.f32 v17, v17;
	v22 =	vmul.f32 v22, v22;
	_ =	sdelay $0x1  }
0x27: {  	v24 =	vshll.u32 v19, $0x4;
	v17 =	vshll.u32 v20, $0xC;
	v25 =	vadd.f32 v22, v23  }
0x28: {  	vm2 =	vgt.s32 v19, $0x0;
	vm3 =	vgt.s32 v20, $0x0;
	v17 =	vadd.s32 v24, v17  }
0x29: {  	vm4 =	vmand vm2, vm3;
	v24 =	vadd.s32 v5, v17;
	vm1 =	vle.f32 v25, $2.250000000e+00  }
0x2a: {  	v24 =	vxor.u32 $0x80000000, v24;
	vm1 =	vmand vm4, vm1  }
0x2b: {  	v50 =	vnsel vm1, $0x4E6E6B28, v16;
	v24 =	vsel vm1, v24, v6  }
0x2c: {  	v26 =	vmul.f32 v21, v21;
	(xrf1) =	vsort.ascd.msk.u32 $0xffff, v24, v50;
	_ =	sdelay $0x1  }
0x2d: {  	v21 =	vsub.f32 $1.000000000e+00, v21;
	v51 =	vadd.f32 v22, v26;
	_ =	sdelay $0x1  }
0x2e: {  	v21 =	vmul.f32 v21, v21;
	v52 =	vadd.s32 v8, v17;
	vm1 =	vle.f32 v51, $2.250000000e+00  }
0x2f: {  	v53 =	vxor.u32 $0x80000000, v52;
	vm1 =	vmand vm3, vm1  }
0x30: {  	v22 =	vadd.f32 v22, v21;
	v54 =	vnsel vm1, $0x4E6E6B28, v16;
	v24 =	vsel vm1, v53, v6  }
0x31: {  	(xrf1) =	vsort.ascd.msk.u32 $0xffff, v24, v54  }
0x32: {  	vm9 =	vle.f32 v22, $2.250000000e+00;
	vm1 =	vlt.s32 v19, $0xFF  }
0x33: {  	v19 =	vadd.s32 v9, v17;
	vm4 =	vmand vm1, vm9  }
0x34: {  	v19 =	vxor.u32 $0x80000000, v19;
	vm3 =	vmand vm3, vm4  }
0x35: {  	v19 =	vsel vm3, v19, v6  }
0x36: {  	v56 =	vmul.f32 v18, v18  }
0x37: {  	v55 =	vnsel vm3, $0x4E6E6B28, v16  }
0x38: {  	v57 =	vadd.f32 v56, v23;
	(xrf1) =	vsort.ascd.msk.u32 $0xffff, v19, v55;
	v19, v22, _ =	vpop (xrf1)  }
0x39: {  	v29 =	vadd.s32 v10, v17;
	v19 =	vshrl.u32 v19, $0x4  }
0x3a: {  	v58 =	vxor.u32 $0x80000000, v29;
	vm3 =	vle.f32 v57, $2.250000000e+00;
	v27 =	vxor.u32 $0x8000000, v19  }
0x3b: {  	vm3 =	vmand vm2, vm3;
	v19 =	vand.u32 $0x7F, v19;
	v28 =	vand.u32 $0xFFFFF80, v27  }
0x3c: {  	v25 =	vsel vm3, v58, v6;
	v19 =	vor.u32 v19, v28;
	_ =	sdelay $0x1  }
0x3d: {  	v59 =	vnsel vm3, $0x4E6E6B28, v16;
	v60 =	vperm.xlane v27, v7  }
0x3e: {  	(xrf1) =	vsort.ascd.msk.u32 $0xffff, v25, v59;
	v25, v28, _ =	vpop (xrf1)  }
0x3f: {  	v30 =	vadd.f32 v56, v26;
	vm3 =	vne.s32 v60, v27;
	v25 =	vshrl.u32 v25, $0x4  }
0x40: {  	v63 =	vxor.u32 v11, v17;
	vm3 =	vmor vm3, vm0;
	v61 =	vxor.u32 $0x8000000, v25;
	v62 =	vld.idx.msk [tilespmem:v19+s9+$0x0], $0xffff  }
0x41: {  	vm10 =	vle.f32 v30, $2.250000000e+00;
	v25 =	vand.u32 $0x7F, v25;
	v31 =	vand.u32 $0xFFFFF80, v61  }
0x42: {  	v18 =	vsub.f32 $1.000000000e+00, v18;
	v25 =	vor.u32 v25, v31;
	v31 =	vsel vm10, v63, v6  }
0x43: {  	v30 =	vnsel vm10, $0x4E6E6B28, v16  }
0x44: {  	v18 =	vmul.f32 v18, v18  }
0x45: {  	v37 =	vadd.s32 v12, v17;
	v32 =	vperm.xlane v61, v7;
	v22 =	vmin.f32 v62, v22  }
0x46: {  	(xrf1) =	vsort.ascd.msk.u32 $0xffff, v31, v30;
	v30, v31, _ =	vpop (xrf1);
	[tilespmem:v19+s9+$0x0] =	vst.idx.msk vm3, v22;
	v19 =	vadd.f32 v56, v21  }
0x47: {  	v38 =	vxor.u32 $0x80000000, v37;
	vm11 =	vne.s32 v32, v61;
	v33 =	vshrl.u32 v30, $0x4  }
0x48: {  	vm3 =	vmor vm11, vm0;
	v35 =	vld.idx.msk [tilespmem:v25+s9+$0x0], $0xffff;
	v34 =	vxor.u32 $0x8000000, v33;
	vm12 =	vle.f32 v19, $2.250000000e+00  }
0x49: {  	v29 =	vand.u32 $0x7F, v33;
	v36 =	vand.u32 $0xFFFFF80, v34;
	vm4 =	vmand vm1, vm12  }
0x4a: {  	v23 =	vadd.f32 v18, v23;
	v19 =	vor.u32 v29, v36;
	v27 =	vsel vm4, v38, v6;
	_ =	sdelay $0x1  }
0x4b: {  	vm5 =	vle.f32 v23, $2.250000000e+00;
	v40 =	vperm.xlane v34, v7;
	v39 =	vnsel vm4, $0x4E6E6B28, v16  }
0x4c: {  	v41 =	vadd.s32 v13, v17;
	vm2 =	vmand vm2, vm5;
	(xrf1) =	vsort.ascd.msk.u32 $0xffff, v27, v39;
	v24 =	vmin.f32 v35, v28;
	v27, v29, _ =	vpop (xrf1)  }
0x4d: {  	v22 =	vxor.u32 $0x80000000, v41;
	vm13 =	vne.s32 v40, v34;
	[tilespmem:v25+s9+$0x0] =	vst.idx.msk vm3, v24;
	v27 =	vshrl.u32 v27, $0x4  }
0x4e: {  	vm4 =	vmor vm13, vm0;
	vm3 =	vlt.s32 v20, $0xFF;
	v42 =	vxor.u32 $0x8000000, v27;
	v25 =	vld.idx.msk [tilespmem:v19+s9+$0x0], $0xffff  }
0x4f: {  	vm2 =	vmand vm3, vm2;
	v27 =	vand.u32 $0x7F, v27;
	v43 =	vand.u32 $0xFFFFF80, v42  }
0x50: {  	v22 =	vsel vm2, v22, v6;
	v20 =	vor.u32 v27, v43;
	_ =	sdelay $0x1  }
0x51: {  	v44 =	vnsel vm2, $0x4E6E6B28, v16;
	v45 =	vperm.xlane v42, v7  }
0x52: {  	(xrf1) =	vsort.ascd.msk.u32 $0xffff, v22, v44;
	v22, v23, _ =	vpop (xrf1);
	v25 =	vmin.f32 v25, v31  }
0x53: {  	vm2 =	vne.s32 v45, v42;
	v22 =	vshrl.u32 v22, $0x4;
	[tilespmem:v19+s9+$0x0] =	vst.idx.msk vm4, v25  }
0x54: {  	vm2 =	vmor vm2, vm0;
	v46 =	vxor.u32 $0x8000000, v22;
	v19 =	vadd.f32 v18, v26;
	v25 =	vld.idx.msk [tilespmem:v20+s9+$0x0], $0xffff  }
0x55: {  	v22 =	vand.u32 $0x7F, v22;
	v47 =	vand.u32 $0xFFFFF80, v46  }
0x56: {  	v48 =	vadd.s32 v14, v17;
	vm14 =	vle.f32 v19, $2.250000000e+00;
	v19 =	vor.u32 v22, v47  }
0x57: {  	v49 =	vxor.u32 $0x80000000, v48;
	vm4 =	vmand vm3, vm14  }
0x58: {  	v51 =	vperm.xlane v46, v7;
	v50 =	vnsel vm4, $0x4E6E6B28, v16;
	v22 =	vsel vm4, v49, v6  }
0x59: {  	v52, v53, _ =	vpop (xrf1);
	(xrf1) =	vsort.ascd.msk.u32 $0xffff, v22, v50;
	v25 =	vmin.f32 v25, v29  }
0x5a: {  	vm15 =	vne.s32 v51, v46;
	v54 =	vshrl.u32 v52, $0x4;
	[tilespmem:v20+s9+$0x0] =	vst.idx.msk vm2, v25  }
0x5b: {  	v18 =	vadd.f32 v18, v21;
	v20 =	vxor.u32 $0x8000000, v54;
	vm2 =	vmor vm15, vm0;
	v55 =	vld.idx.msk [tilespmem:v19+s9+$0x0], $0xffff  }
0x5c: {  	v22 =	vand.u32 $0x7F, v54;
	v56 =	vand.u32 $0xFFFFF80, v20  }
0x5d: {  	vm1 =	vmand vm1, vm3;
	vm3 =	vle.f32 v18, $2.250000000e+00;
	v18 =	vor.u32 v22, v56  }
0x5e: {  	v17 =	vadd.s32 v15, v17  }
0x5f: {  	v17 =	vxor.u32 $0x80000000, v17;
	vm1 =	vmand vm1, vm3;
	v57 =	vperm.xlane v20, v7  }
0x60: {  	v16 =	vnsel vm1, $0x4E6E6B28, v16;
	v17 =	vsel vm1, v17, v6;
	v59, v58, _ =	vpop (xrf1);
	v21 =	vmin.f32 v55, v23  }
0x61: {  	(xrf1) =	vsort.ascd.msk.u32 $0xffff, v17, v16;
	vm1 =	vne.s32 v57, v20;
	v16 =	vshrl.u32 v59, $0x4;
	[tilespmem:v19+s9+$0x0] =	vst.idx.msk vm2, v21  }
0x62: {  	v17 =	vxor.u32 $0x8000000, v16;
	vm1 =	vmor vm1, vm0;
	v19 =	vld.idx.msk [tilespmem:v18+s9+$0x0], $0xffff  }
0x63: {  	v16 =	vand.u32 $0x7F, v16;
	v20 =	vand.u32 $0xFFFFF80, v17  }
0x64: {  	v16 =	vor.u32 v16, v20;
	_ =	sdelay $0x1  }
0x65: {  	v20 =	vperm.xlane v17, v7  }
0x66: {  	v61, v60, _ =	vpop (xrf1);
	v19 =	vmin.f32 v19, v53  }
0x67: {  	vm2 =	vne.s32 v20, v17;
	v17 =	vshrl.u32 v61, $0x4;
	[tilespmem:v18+s9+$0x0] =	vst.idx.msk vm1, v19  }
0x68: {  	vm1 =	vmor vm2, vm0;
	v19 =	vxor.u32 $0x8000000, v17;
	v18 =	vld.idx.msk [tilespmem:v16+s9+$0x0], $0xffff  }
0x69: {  	v17 =	vand.u32 $0x7F, v17;
	v20 =	vand.u32 $0xFFFFF80, v19  }
0x6a: {  	v17 =	vor.u32 v17, v20;
	_ =	sdelay $0x1  }
0x6b: {  	v20 =	vperm.xlane v19, v7  }
0x6c: {  	v18 =	vmin.f32 v18, v58  }
0x6d: {  	vm2 =	vne.s32 v20, v19;
	[tilespmem:v16+s9+$0x0] =	vst.idx.msk vm1, v18  }
0x6e: {  	v63, v62, _ =	vpop (xrf1);
	vm1 =	vmor vm2, vm0;
	v18 =	vld.idx.msk [tilespmem:v17+s9+$0x0], $0xffff  }
0x6f: {  	v16 =	vshrl.u32 v63, $0x4  }
0x70: {  	v19 =	vxor.u32 $0x8000000, v16  }
0x71: {  	v16 =	vand.u32 $0x7F, v16;
	v20 =	vand.u32 $0xFFFFF80, v19  }
0x72: {  	v16 =	vor.u32 v16, v20  }
0x73: {  	v18 =	vmin.f32 v18, v60  }
0x74: {  	[tilespmem:v17+s9+$0x0] =	vst.idx.msk vm1, v18;
	v17 =	vperm.xlane v19, v7;
	_ =	sdelay $0x1  }
0x75: {  	vm1 =	vne.s32 v17, v19  }
0x76: {  	v18 =	vld.idx.msk [tilespmem:v16+s9+$0x0], $0xffff;
	vm1 =	vmor vm1, vm0  }
0x77: {  	s11 =	simm.s32 $0x30  }
0x78: {  	v17 =	vadd.s32 s11, v4;
	_ =	sdelay $0x2  }
0x79: {  	s12 =	simm.s32 $0x60;
	v18 =	vmin.f32 v18, v62  }
.LBB2_4:
0x7a: {  	p0 =	sne.s32 s12, $0x5FD0;
	[tilespmem:v16+s9+$0x0] =	vst.idx.msk vm1, v18;
	s13 =	smov.u32 s12;
	s12 =	sadd.s32 $0x30, s12  }
0x7b: {  	v16 =	vld.idx.msk [tilespmem:v17+s2+$0x0], $0xffff;
	_ =	sdelay $0x5  }
0x7c: {  	(xrf1) =	vsort.ascd.msk.f32 $0xffff, v16, v0;
	_ =	sdelay $0x2  }
0x7d: {  	v16 =	vadd.s32 s11, v3  }
0x7e: {  	v17 =	vadd.s32 s11, v1;
	s11 =	smov.u32 s13;
	_ =	sdelay $0x3  }
0x7f: {  	v18 =	vld.idx.msk [tilespmem:v16+s2+$0x0], $0xffff  }
0x80: {  	v17 =	vld.idx.msk [tilespmem:v17+s2+$0x0], $0xffff;
	_ =	sdelay $0x4  }
0x81: {  	v16, v19, _ =	vpop (xrf1)  }
0x82: {  	v17 =	vperm.xlane v17, v19;
	v18 =	vperm.xlane v18, v19;
	_ =	sdelay $0x1  }
0x83: {  	v17 =	vmul.f32 $2.550000000e+02, v17;
	v18 =	vmul.f32 $2.550000000e+02, v18;
	_ =	sdelay $0x1  }
0x84: {  	v19 =	vtrunc.f32 v17;
	v20 =	vtrunc.f32 v18  }
0x85: {  	v19 =	vcvt.f32.s32 v19;
	v20 =	vcvt.f32.s32 v20;
	_ =	sdelay $0x1  }
0x86: {  	v21 =	vcvt.s32.f32 v19;
	v22 =	vcvt.s32.f32 v20;
	v23 =	vshll.u32 v20, $0xC  }
0x87: {  	vm2 =	vgt.s32 v19, $0x0;
	v24 =	vshll.u32 v19, $0x4  }
0x88: {  	v17 =	vsub.f32 v17, v21;
	v18 =	vsub.f32 v18, v22;
	v21 =	vadd.s32 v24, v23  }
0x89: {  	v22 =	vadd.s32 v5, v21;
	v23 =	vadd.s32 v8, v21;
	v24 =	vadd.s32 v9, v21  }
0x8a: {  	v27 =	vadd.s32 v10, v21;
	v25 =	vadd.f32 $1.000000000e+00, v17;
	v26 =	vadd.f32 $1.000000000e+00, v18  }
0x8b: {  	v30 =	vadd.s32 v12, v21;
	v28 =	vsub.f32 $1.000000000e+00, v17;
	v29 =	vmul.f32 v17, v17  }
0x8c: {  	v17 =	vsub.f32 $1.000000000e+00, v18;
	v25 =	vmul.f32 v25, v25;
	v26 =	vmul.f32 v26, v26  }
0x8d: {  	vm3 =	vlt.s32 v19, $0xFF;
	v19 =	vxor.u32 v11, v21;
	v28 =	vmul.f32 v28, v28  }
0x8e: {  	v18 =	vmul.f32 v18, v18;
	v31 =	vadd.f32 v26, v25;
	v32 =	vadd.f32 v26, v29  }
0x8f: {  	vm1 =	vgt.s32 v20, $0x0;
	v23 =	vxor.u32 $0x80000000, v23;
	v26 =	vadd.f32 v26, v28  }
0x90: {  	vm5 =	vmand vm2, vm1;
	vm4 =	vle.f32 v31, $2.250000000e+00;
	vm6 =	vle.f32 v32, $2.250000000e+00  }
0x91: {  	v22 =	vxor.u32 $0x80000000, v22;
	vm4 =	vmand vm5, vm4;
	vm5 =	vmand vm1, vm6  }
0x92: {  	v31 =	vnsel vm4, $0x4E6E6B28, v16;
	v22 =	vsel vm4, v22, v6;
	v32 =	vnsel vm5, $0x4E6E6B28, v16  }
0x93: {  	v23 =	vsel vm5, v23, v6;
	vm4 =	vle.f32 v26, $2.250000000e+00;
	v26 =	vadd.f32 v18, v25;
	(xrf1) =	vsort.ascd.msk.u32 $0xffff, v22, v31  }
0x94: {  	vm4 =	vmand vm3, vm4;
	v22 =	vxor.u32 $0x80000000, v27;
	v27 =	vadd.f32 v18, v29;
	(xrf1) =	vsort.ascd.msk.u32 $0xffff, v23, v32  }
0x95: {  	vm1 =	vmand vm1, vm4;
	v23 =	vxor.u32 $0x80000000, v24;
	vm4 =	vle.f32 v26, $2.250000000e+00  }
0x96: {  	v24 =	vnsel vm1, $0x4E6E6B28, v16;
	v23 =	vsel vm1, v23, v6;
	vm1 =	vmand vm2, vm4  }
0x97: {  	v26 =	vnsel vm1, $0x4E6E6B28, v16;
	v22 =	vsel vm1, v22, v6;
	vm1 =	vle.f32 v27, $2.250000000e+00;
	(xrf1) =	vsort.ascd.msk.u32 $0xffff, v23, v24  }
0x98: {  	v18 =	vadd.f32 v18, v28;
	v23 =	vnsel vm1, $0x4E6E6B28, v16;
	v19 =	vsel vm1, v19, v6;
	(xrf1) =	vsort.ascd.msk.u32 $0xffff, v22, v26  }
0x99: {  	v24 =	vadd.s32 v13, v21;
	v22 =	vmul.f32 v17, v17;
	(xrf1) =	vsort.ascd.msk.u32 $0xffff, v19, v23  }
0x9a: {  	vm1 =	vle.f32 v18, $2.250000000e+00;
	v18 =	vadd.s32 v15, v21;
	v17 =	vadd.s32 v14, v21  }
0x9b: {  	vm1 =	vmand vm3, vm1;
	v19 =	vxor.u32 $0x80000000, v30;
	v21 =	vadd.f32 v22, v29  }
0x9c: {  	v23 =	vnsel vm1, $0x4E6E6B28, v16;
	v19 =	vsel vm1, v19, v6;
	v25 =	vadd.f32 v22, v25  }
0x9d: {  	v26 =	vadd.f32 v22, v28;
	(xrf1) =	vsort.ascd.msk.u32 $0xffff, v19, v23  }
0x9e: {  	vm4 =	vlt.s32 v20, $0xFF;
	vm5 =	vle.f32 v25, $2.250000000e+00;
	vm1 =	vle.f32 v21, $2.250000000e+00  }
0x9f: {  	vm3 =	vmand vm3, vm4;
	v19 =	vxor.u32 $0x80000000, v24;
	vm1 =	vmand vm4, vm1  }
0xa0: {  	vm2 =	vmand vm2, vm5;
	v20 =	vnsel vm1, $0x4E6E6B28, v16  }
0xa1: {  	v18 =	vxor.u32 $0x80000000, v18;
	vm2 =	vmand vm4, vm2;
	vm4 =	vle.f32 v26, $2.250000000e+00;
	v21, v22, _ =	vpop (xrf1)  }
0xa2: {  	v23 =	vnsel vm2, $0x4E6E6B28, v16;
	vm3 =	vmand vm3, vm4;
	v21 =	vshrl.u32 v21, $0x4;
	v24, v25, _ =	vpop (xrf1)  }
0xa3: {  	v19 =	vsel vm2, v19, v6;
	v26 =	vxor.u32 $0x8000000, v21;
	v24 =	vshrl.u32 v24, $0x4  }
0xa4: {  	v21 =	vand.u32 $0x7F, v21;
	v27 =	vperm.xlane v26, v7;
	v31 =	vand.u32 $0xFFFFF80, v26;
	(xrf1) =	vsort.ascd.msk.u32 $0xffff, v19, v23  }
0xa5: {  	v16 =	vnsel vm3, $0x4E6E6B28, v16;
	v19 =	vor.u32 v21, v31;
	v21 =	vxor.u32 $0x8000000, v24;
	v23, v28, _ =	vpop (xrf1)  }
0xa6: {  	vm4 =	vne.s32 v27, v26;
	v26 =	vperm.xlane v21, v7;
	v27 =	vand.u32 $0xFFFFF80, v21;
	v29, v30, _ =	vpop (xrf1)  }
0xa7: {  	v18 =	vsel vm3, v18, v6;
	v23 =	vshrl.u32 v23, $0x4;
	v29 =	vshrl.u32 v29, $0x4;
	v31, v32, _ =	vpop (xrf1)  }
0xa8: {  	vm2 =	vne.s32 v26, v21;
	v21 =	vxor.u32 $0x8000000, v23;
	v26 =	vxor.u32 $0x8000000, v29  }
0xa9: {  	v39 =	vperm.xlane v21, v7;
	v34 =	vand.u32 $0xFFFFF80, v21;
	v35 =	vand.u32 $0xFFFFF80, v26  }
0xaa: {  	v31 =	vshrl.u32 v31, $0x4;
	v37 =	vperm.xlane v26, v7;
	v36 =	vld.idx.msk [tilespmem:v19+s9+$0x0], $0xffff  }
0xab: {  	vm3 =	vmor vm4, vm0;
	vm6 =	vne.s32 v39, v21;
	v21 =	vxor.u32 $0x8000000, v31;
	v33, v38, _ =	vpop (xrf1)  }
0xac: {  	v24 =	vand.u32 $0x7F, v24;
	vm5 =	vne.s32 v37, v26;
	v26 =	vand.u32 $0xFFFFF80, v21  }
0xad: {  	v24 =	vor.u32 v24, v27;
	v27 =	vperm.xlane v21, v7;
	v33 =	vshrl.u32 v33, $0x4  }
0xae: {  	v37 =	vxor.u32 $0x8000000, v33  }
0xaf: {  	vm4 =	vne.s32 v27, v21;
	v39 =	vperm.xlane v37, v7;
	v27 =	vand.u32 $0xFFFFF80, v37  }
0xb0: {  	v36 =	vmin.f32 v36, v22  }
0xb1: {  	[tilespmem:v19+s9+$0x0] =	vst.idx.msk vm3, v36;
	vm3 =	vne.s32 v39, v37  }
0xb2: {  	v19 =	vld.idx.msk [tilespmem:v24+s9+$0x0], $0xffff;
	v21, v22, _ =	vpop (xrf1)  }
0xb3: {  	vm7 =	vmor vm2, vm0;
	v21 =	vshrl.u32 v21, $0x4  }
0xb4: {  	v23 =	vand.u32 $0x7F, v23;
	v36 =	vxor.u32 $0x8000000, v21  }
0xb5: {  	v23 =	vor.u32 v23, v34;
	v34 =	vperm.xlane v36, v7;
	v37 =	vand.u32 $0xFFFFF80, v36;
	_ =	sdelay $0x1  }
0xb6: {  	vm2 =	vne.s32 v34, v36  }
0xb7: {  	v19 =	vmin.f32 v19, v25  }
0xb8: {  	[tilespmem:v24+s9+$0x0] =	vst.idx.msk vm7, v19  }
0xb9: {  	v19 =	vld.idx.msk [tilespmem:v23+s9+$0x0], $0xffff  }
0xba: {  	vm6 =	vmor vm6, vm0  }
0xbb: {  	v24 =	vand.u32 $0x7F, v29  }
0xbc: {  	v24 =	vor.u32 v24, v35;
	_ =	sdelay $0x2  }
0xbd: {  	v19 =	vmin.f32 v19, v28  }
0xbe: {  	[tilespmem:v23+s9+$0x0] =	vst.idx.msk vm6, v19  }
0xbf: {  	v19 =	vld.idx.msk [tilespmem:v24+s9+$0x0], $0xffff  }
0xc0: {  	vm5 =	vmor vm5, vm0  }
0xc1: {  	v23 =	vand.u32 $0x7F, v31  }
0xc2: {  	v23 =	vor.u32 v23, v26;
	_ =	sdelay $0x2  }
0xc3: {  	v19 =	vmin.f32 v19, v30  }
0xc4: {  	v17 =	vxor.u32 $0x80000000, v17;
	[tilespmem:v24+s9+$0x0] =	vst.idx.msk vm5, v19  }
0xc5: {  	v17 =	vsel vm1, v17, v6;
	v19 =	vld.idx.msk [tilespmem:v23+s9+$0x0], $0xffff  }
0xc6: {  	vm1 =	vmor vm4, vm0;
	(xrf1) =	vsort.ascd.msk.u32 $0xffff, v17, v20  }
0xc7: {  	v17 =	vand.u32 $0x7F, v33  }
0xc8: {  	v17 =	vor.u32 v17, v27;
	_ =	sdelay $0x2  }
0xc9: {  	v19 =	vmin.f32 v19, v32  }
0xca: {  	[tilespmem:v23+s9+$0x0] =	vst.idx.msk vm1, v19  }
0xcb: {  	v19 =	vld.idx.msk [tilespmem:v17+s9+$0x0], $0xffff  }
0xcc: {  	vm1 =	vmor vm3, vm0;
	(xrf1) =	vsort.ascd.msk.u32 $0xffff, v18, v16  }
0xcd: {  	v16 =	vand.u32 $0x7F, v21  }
0xce: {  	v16 =	vor.u32 v16, v37;
	_ =	sdelay $0x2  }
0xcf: {  	v19 =	vmin.f32 v19, v38  }
0xd0: {  	[tilespmem:v17+s9+$0x0] =	vst.idx.msk vm1, v19;
	v17, v18, _ =	vpop (xrf1)  }
0xd1: {  	v19 =	vld.idx.msk [tilespmem:v16+s9+$0x0], $0xffff;
	v17 =	vshrl.u32 v17, $0x4  }
0xd2: {  	vm1 =	vmor vm2, vm0;
	v20 =	vxor.u32 $0x8000000, v17  }
0xd3: {  	v17 =	vand.u32 $0x7F, v17;
	v21 =	vperm.xlane v20, v7;
	v23 =	vand.u32 $0xFFFFF80, v20  }
0xd4: {  	v17 =	vor.u32 v17, v23  }
0xd5: {  	vm2 =	vne.s32 v21, v20;
	_ =	sdelay $0x1  }
0xd6: {  	v20 =	vmin.f32 v19, v22  }
0xd7: {  	[tilespmem:v16+s9+$0x0] =	vst.idx.msk vm1, v20;
	v16, v19, _ =	vpop (xrf1)  }
0xd8: {  	v20 =	vld.idx.msk [tilespmem:v17+s9+$0x0], $0xffff;
	v16 =	vshrl.u32 v16, $0x4  }
0xd9: {  	vm1 =	vmor vm2, vm0;
	v21 =	vxor.u32 $0x8000000, v16  }
0xda: {  	v16 =	vand.u32 $0x7F, v16;
	v22 =	vperm.xlane v21, v7;
	v23 =	vand.u32 $0xFFFFF80, v21  }
0xdb: {  	v16 =	vor.u32 v16, v23  }
0xdc: {  	vm2 =	vne.s32 v22, v21;
	_ =	sdelay $0x1  }
0xdd: {  	v18 =	vmin.f32 v20, v18  }
0xde: {  	[tilespmem:v17+s9+$0x0] =	vst.idx.msk vm1, v18  }
0xdf: {  	v18 =	vld.idx.msk [tilespmem:v16+s9+$0x0], $0xffff  }
0xe0: {  	vm1 =	vmor vm2, vm0  }
.Ltmp1:
0xe1: {  	(pc) =	sbr.rel @p0 .LBB2_4-.Ltmp1, $2  }
0xe2: {  	v17 =	vadd.s32 s11, v4;
	_ =	sdelay $0x2  }
0xe3: {  	v18 =	vmin.f32 v18, v19  }
0xe4: {  	_ =	sdelay $0x4  }
0xe5: {  	[tilespmem:v16+s9+$0x0] =	vst.idx.msk vm1, v18  }
0xe6: {  	v16 =	vld.idx.msk [tilespmem:v17+s2+$0x0], $0xffff;
	_ =	sdelay $0x4  }
0xe7: {  	(xrf1) =	vsort.ascd.msk.f32 $0xffff, v16, v0;
	_ =	sdelay $0x3  }
0xe8: {  	v17 =	vadd.s32 s11, v1  }
0xe9: {  	v16 =	vadd.s32 s11, v3;
	_ =	sdelay $0x3  }
0xea: {  	v17 =	vld.idx.msk [tilespmem:v17+s2+$0x0], $0xffff  }
0xeb: {  	v18 =	vld.idx.msk [tilespmem:v16+s2+$0x0], $0xffff;
	_ =	sdelay $0x3  }
0xec: {  	v16, v19, _ =	vpop (xrf1)  }
0xed: {  	v17 =	vperm.xlane v17, v19;
	v18 =	vperm.xlane v18, v19;
	_ =	sdelay $0x1  }
0xee: {  	v17 =	vmul.f32 $2.550000000e+02, v17;
	v18 =	vmul.f32 $2.550000000e+02, v18;
	_ =	sdelay $0x1  }
0xef: {  	v34 =	vtrunc.f32 v17;
	v20 =	vtrunc.f32 v18  }
0xf0: {  	v19 =	vcvt.f32.s32 v34;
	v20 =	vcvt.f32.s32 v20;
	_ =	sdelay $0x1  }
0xf1: {  	v21 =	vcvt.s32.f32 v19;
	v22 =	vcvt.s32.f32 v20;
	_ =	sdelay $0x1  }
0xf2: {  	v21 =	vsub.f32 v17, v21;
	v18 =	vsub.f32 v18, v22;
	_ =	sdelay $0x1  }
0xf3: {  	v17 =	vadd.f32 $1.000000000e+00, v21;
	v22 =	vadd.f32 $1.000000000e+00, v18;
	_ =	sdelay $0x1  }
0xf4: {  	v23 =	vmul.f32 v17, v17;
	v22 =	vmul.f32 v22, v22;
	_ =	sdelay $0x1  }
0xf5: {  	v24 =	vshll.u32 v19, $0x4;
	v17 =	vshll.u32 v20, $0xC;
	v25 =	vadd.f32 v22, v23  }
0xf6: {  	vm2 =	vgt.s32 v19, $0x0;
	vm3 =	vgt.s32 v20, $0x0;
	v17 =	vadd.s32 v24, v17  }
0xf7: {  	vm4 =	vmand vm2, vm3;
	v24 =	vadd.s32 v5, v17;
	vm1 =	vle.f32 v25, $2.250000000e+00  }
0xf8: {  	v24 =	vxor.u32 $0x80000000, v24;
	vm1 =	vmand vm4, vm1  }
0xf9: {  	v35 =	vnsel vm1, $0x4E6E6B28, v16;
	v24 =	vsel vm1, v24, v6  }
0xfa: {  	v26 =	vmul.f32 v21, v21;
	(xrf1) =	vsort.ascd.msk.u32 $0xffff, v24, v35;
	_ =	sdelay $0x1  }
0xfb: {  	v21 =	vsub.f32 $1.000000000e+00, v21;
	v36 =	vadd.f32 v22, v26;
	_ =	sdelay $0x1  }
0xfc: {  	v21 =	vmul.f32 v21, v21;
	v37 =	vadd.s32 v8, v17;
	vm1 =	vle.f32 v36, $2.250000000e+00  }
0xfd: {  	v38 =	vxor.u32 $0x80000000, v37;
	vm1 =	vmand vm3, vm1  }
0xfe: {  	v22 =	vadd.f32 v22, v21;
	v39 =	vnsel vm1, $0x4E6E6B28, v16;
	v24 =	vsel vm1, v38, v6  }
0xff: {  	(xrf1) =	vsort.ascd.msk.u32 $0xffff, v24, v39  }
0x100: {  	vm9 =	vle.f32 v22, $2.250000000e+00;
	vm1 =	vlt.s32 v19, $0xFF  }
0x101: {  	v40 =	vadd.s32 v9, v17;
	vm4 =	vmand vm1, vm9  }
0x102: {  	v19 =	vxor.u32 $0x80000000, v40;
	vm3 =	vmand vm3, vm4  }
0x103: {  	v19 =	vsel vm3, v19, v6  }
0x104: {  	v42 =	vmul.f32 v18, v18  }
0x105: {  	v41 =	vnsel vm3, $0x4E6E6B28, v16  }
0x106: {  	v43 =	vadd.f32 v42, v23;
	(xrf1) =	vsort.ascd.msk.u32 $0xffff, v19, v41;
	v19, v22, _ =	vpop (xrf1)  }
0x107: {  	v19 =	vshrl.u32 v19, $0x4  }
0x108: {  	v29 =	vadd.s32 v10, v17;
	vm3 =	vle.f32 v43, $2.250000000e+00;
	v27 =	vxor.u32 $0x8000000, v19  }
0x109: {  	v44 =	vxor.u32 $0x80000000, v29;
	vm3 =	vmand vm2, vm3;
	v28 =	vand.u32 $0xFFFFF80, v27  }
0x10a: {  	v25 =	vsel vm3, v44, v6;
	v19 =	vand.u32 $0x7F, v19  }
0x10b: {  	v19 =	vor.u32 v19, v28  }
0x10c: {  	v45 =	vnsel vm3, $0x4E6E6B28, v16  }
0x10d: {  	v30 =	vadd.f32 v42, v26;
	(xrf1) =	vsort.ascd.msk.u32 $0xffff, v25, v45;
	v46 =	vperm.xlane v27, v7;
	v25, v28, _ =	vpop (xrf1)  }
0x10e: {  	v49 =	vxor.u32 v11, v17;
	v25 =	vshrl.u32 v25, $0x4  }
0x10f: {  	vm10 =	vle.f32 v30, $2.250000000e+00;
	vm3 =	vne.s32 v46, v27;
	v47 =	vxor.u32 $0x8000000, v25  }
0x110: {  	vm3 =	vmor vm3, vm0;
	v48 =	vld.idx.msk [tilespmem:v19+s9+$0x0], $0xffff;
	v25 =	vand.u32 $0x7F, v25;
	v31 =	vand.u32 $0xFFFFF80, v47  }
0x111: {  	v25 =	vor.u32 v25, v31;
	v31 =	vsel vm10, v49, v6  }
0x112: {  	v18 =	vsub.f32 $1.000000000e+00, v18;
	v30 =	vnsel vm10, $0x4E6E6B28, v16;
	_ =	sdelay $0x1  }
0x113: {  	v18 =	vmul.f32 v18, v18;
	v51 =	vadd.f32 v42, v21;
	v32 =	vperm.xlane v47, v7  }
0x114: {  	v55 =	vadd.s32 v12, v17;
	(xrf1) =	vsort.ascd.msk.u32 $0xffff, v31, v30;
	v22 =	vmin.f32 v48, v22;
	v30, v31, _ =	vpop (xrf1)  }
0x115: {  	v57 =	vxor.u32 $0x80000000, v55;
	vm11 =	vne.s32 v32, v47;
	[tilespmem:v19+s9+$0x0] =	vst.idx.msk vm3, v22;
	v50 =	vshrl.u32 v30, $0x4  }
0x116: {  	vm12 =	vle.f32 v51, $2.250000000e+00;
	vm3 =	vmor vm11, vm0;
	v53 =	vld.idx.msk [tilespmem:v25+s9+$0x0], $0xffff;
	v52 =	vxor.u32 $0x8000000, v50  }
0x117: {  	vm4 =	vmand vm1, vm12;
	v29 =	vand.u32 $0x7F, v50;
	v54 =	vand.u32 $0xFFFFF80, v52  }
0x118: {  	v23 =	vadd.f32 v18, v23;
	v27 =	vsel vm4, v57, v6;
	v56 =	vor.u32 v29, v54;
	_ =	sdelay $0x1  }
0x119: {  	vm5 =	vle.f32 v23, $2.250000000e+00;
	v58 =	vnsel vm4, $0x4E6E6B28, v16;
	v59 =	vperm.xlane v52, v7  }
0x11a: {  	v60 =	vadd.s32 v13, v17;
	vm2 =	vmand vm2, vm5;
	(xrf1) =	vsort.ascd.msk.u32 $0xffff, v27, v58;
	v27, v29, _ =	vpop (xrf1);
	v24 =	vmin.f32 v53, v28  }
0x11b: {  	v22 =	vxor.u32 $0x80000000, v60;
	vm13 =	vne.s32 v59, v52;
	v27 =	vshrl.u32 v27, $0x4;
	[tilespmem:v25+s9+$0x0] =	vst.idx.msk vm3, v24  }
0x11c: {  	vm4 =	vmor vm13, vm0;
	vm3 =	vlt.s32 v20, $0xFF;
	v61 =	vxor.u32 $0x8000000, v27;
	v25 =	vld.idx.msk [tilespmem:v56+s9+$0x0], $0xffff  }
0x11d: {  	v27 =	vand.u32 $0x7F, v27;
	vm2 =	vmand vm3, vm2;
	v62 =	vand.u32 $0xFFFFF80, v61  }
0x11e: {  	v22 =	vsel vm2, v22, v6;
	v63 =	vor.u32 v27, v62;
	_ =	sdelay $0x1  }
0x11f: {  	v32 =	vnsel vm2, $0x4E6E6B28, v16;
	v33 =	vperm.xlane v61, v7  }
0x120: {  	(xrf1) =	vsort.ascd.msk.u32 $0xffff, v22, v32;
	v22, v23, _ =	vpop (xrf1);
	v25 =	vmin.f32 v25, v31  }
0x121: {  	vm2 =	vne.s32 v33, v61;
	v22 =	vshrl.u32 v22, $0x4;
	[tilespmem:v56+s9+$0x0] =	vst.idx.msk vm4, v25  }
0x122: {  	v34 =	vadd.f32 v18, v26;
	vm2 =	vmor vm2, vm0;
	v35 =	vxor.u32 $0x8000000, v22;
	v25 =	vld.idx.msk [tilespmem:v63+s9+$0x0], $0xffff  }
0x123: {  	v22 =	vand.u32 $0x7F, v22;
	v36 =	vand.u32 $0xFFFFF80, v35  }
0x124: {  	v37 =	vadd.s32 v14, v17;
	vm14 =	vle.f32 v34, $2.250000000e+00;
	v38 =	vor.u32 v22, v36  }
0x125: {  	v39 =	vxor.u32 $0x80000000, v37;
	vm4 =	vmand vm3, vm14  }
0x126: {  	v41 =	vperm.xlane v35, v7;
	v40 =	vnsel vm4, $0x4E6E6B28, v16;
	v22 =	vsel vm4, v39, v6  }
0x127: {  	v42, v43, _ =	vpop (xrf1);
	(xrf1) =	vsort.ascd.msk.u32 $0xffff, v22, v40;
	v25 =	vmin.f32 v25, v29  }
0x128: {  	v44 =	vshrl.u32 v42, $0x4;
	vm15 =	vne.s32 v41, v35;
	[tilespmem:v63+s9+$0x0] =	vst.idx.msk vm2, v25  }
0x129: {  	v18 =	vadd.f32 v18, v21;
	v45 =	vxor.u32 $0x8000000, v44;
	vm2 =	vmor vm15, vm0;
	v46 =	vld.idx.msk [tilespmem:v38+s9+$0x0], $0xffff  }
0x12a: {  	v17 =	vadd.s32 v15, v17;
	v47 =	vand.u32 $0xFFFFF80, v45;
	v22 =	vand.u32 $0x7F, v44  }
0x12b: {  	vm1 =	vmand vm1, vm3;
	vm3 =	vle.f32 v18, $2.250000000e+00;
	v48 =	vor.u32 v22, v47  }
0x12c: {  	v17 =	vxor.u32 $0x80000000, v17;
	vm1 =	vmand vm1, vm3  }
0x12d: {  	v16 =	vnsel vm1, $0x4E6E6B28, v16;
	v17 =	vsel vm1, v17, v6;
	v49 =	vperm.xlane v45, v7  }
0x12e: {  	v51, v50, _ =	vpop (xrf1);
	(xrf1) =	vsort.ascd.msk.u32 $0xffff, v17, v16;
	v21 =	vmin.f32 v46, v23  }
0x12f: {  	vm1 =	vne.s32 v49, v45;
	v16 =	vshrl.u32 v51, $0x4;
	[tilespmem:v38+s9+$0x0] =	vst.idx.msk vm2, v21  }
0x130: {  	vm1 =	vmor vm1, vm0;
	v17 =	vxor.u32 $0x8000000, v16;
	v19 =	vld.idx.msk [tilespmem:v48+s9+$0x0], $0xffff  }
0x131: {  	v16 =	vand.u32 $0x7F, v16;
	v52 =	vand.u32 $0xFFFFF80, v17  }
0x132: {  	v16 =	vor.u32 v16, v52;
	_ =	sdelay $0x1  }
0x133: {  	v53 =	vperm.xlane v17, v7  }
0x134: {  	v55, v54, _ =	vpop (xrf1);
	v19 =	vmin.f32 v19, v43  }
0x135: {  	vm2 =	vne.s32 v53, v17;
	v17 =	vshrl.u32 v55, $0x4;
	[tilespmem:v48+s9+$0x0] =	vst.idx.msk vm1, v19  }
0x136: {  	v56 =	vxor.u32 $0x8000000, v17;
	vm1 =	vmor vm2, vm0;
	v18 =	vld.idx.msk [tilespmem:v16+s9+$0x0], $0xffff  }
0x137: {  	v17 =	vand.u32 $0x7F, v17;
	v57 =	vand.u32 $0xFFFFF80, v56  }
0x138: {  	v17 =	vor.u32 v17, v57;
	_ =	sdelay $0x1  }
0x139: {  	v58 =	vperm.xlane v56, v7  }
0x13a: {  	v60, v59, _ =	vpop (xrf1);
	v18 =	vmin.f32 v18, v50  }
0x13b: {  	vm2 =	vne.s32 v58, v56;
	[tilespmem:v16+s9+$0x0] =	vst.idx.msk vm1, v18;
	v16 =	vshrl.u32 v60, $0x4  }
0x13c: {  	vm1 =	vmor vm2, vm0;
	v18 =	vld.idx.msk [tilespmem:v17+s9+$0x0], $0xffff;
	v61 =	vxor.u32 $0x8000000, v16  }
0x13d: {  	v16 =	vand.u32 $0x7F, v16;
	v62 =	vand.u32 $0xFFFFF80, v61  }
0x13e: {  	v16 =	vor.u32 v16, v62;
	_ =	sdelay $0x1  }
0x13f: {  	v63 =	vperm.xlane v61, v7  }
0x140: {  	v18 =	vmin.f32 v18, v54  }
0x141: {  	vm2 =	vne.s32 v63, v61;
	[tilespmem:v17+s9+$0x0] =	vst.idx.msk vm1, v18  }
0x142: {  	vm1 =	vmor vm2, vm0;
	v17 =	vld.idx.msk [tilespmem:v16+s9+$0x0], $0xffff;
	_ =	sdelay $0x3  }
0x143: {  	s10 =	sadd.s32 $0x1, s10  }
0x144: {  	p0 =	sne.s32 s10, s5;
	v17 =	vmin.f32 v17, v59  }
.Ltmp2:
0x145: {  	[tilespmem:v16+s9+$0x0] =	vst.idx.msk vm1, v17;
	(pc) =	sbr.rel @p0 .LBB2_1-.Ltmp2, $4  }
0x146: {  	[hbm4b:s4+s6] =	stream.strided.scatter [tilespmem:s9], [sflag:$0x1], $0x10000, s7, s6, $0x38;
	[tilespmem:$0x16080] =	vst v63  }
0x147: {  	_ =	swait.ge [sflag:s8], $0x10000  }
0x148: {  	[sflag:s8] =	ssyncset.done $0x0  }
0x149: {  	[sflag:s8] =	ssyncadd.s32 $0xFFFF0000  }
0x14a: {  	_ =	sfence.sel $0x180000  }
0x14b: {  	[bflag:$0x0] =	sbarrier.arrive $0xFFFF  }
0x14c: {  	p0 =	sne.s32 s1, $0x0;
	_ =	strace $0x90000047  }
0x14d: {  	s0 =	sadd.s32 @!p0 $0x100000, s0;
	[bflag:$0x2] =	sbarrier.arrive $0xFFFF  }
0x14e: {  	[sflag:s0] =	ssyncadd.tile.s32 @!p0 $0x1;
	_ =	shalt  }
.Lfunc_end2:
_tile_overlayer_lowered:
.L_overlay_start_2:
0x14f: {  	(tag) =	ssettag $0x2  }
0x150: {  	s0 =	rddreg [dreg:$0x0];
	s2 =	stileid.u32  }
0x151: {  	s1 =	rddreg [dreg:$0x1];
	p0 =	sne.s32 s2, $0x0  }
0x152: {  	s3 =	rddreg [dreg:$0x2];
	[bflag:$0x3] =	sbarrier.arrive $0xFFFF;
	s2 =	simm.s32 @!p0 $0x1C01  }
0x153: {  	[timem:s3], [sflag:s2] =	dma.local @!p0 [hbm:s0], s1  }
0x154: {  	s0 =	simm.s32 @!p0 $0x1  }
0x155: {  	_ =	swait.ge @!p0 [sflag:s0], s1  }
0x156: {  	s1 =	ssub.s32 @!p0 $0x0, s1;
	[sflag:s0] =	ssyncset.done @!p0 $0x0  }
0x157: {  	[sflag:s0] =	ssyncadd.s32 @!p0 s1  }
0x158: {  	[bflag:$0x3] =	sbarrier.arrive $0xFFFF  }
0x159: {  	_ =	shalt  }

</sc_bundles>
